<compile_context>
chip_gen: v7x
topology: tpu7x:2x2x1
jax: 0.10.2.dev20260603
libtpu: 0.0.44.dev20260713+nightly
codegen_flags: <defaults>
</compile_context>

<pallas_src>
import functools

import jax
import jax.numpy as jnp
from jax import lax
from jax.experimental import pallas as pl
from jax.experimental.pallas import tpu as pltpu
from jax.experimental.pallas import tpu_sc as plsc

NUM_LAYERS = 24
NUM_EXPERTS = 16
TOTAL_CAPITAL = 10000.0
MIN_SHARE = 0.05
TAX_THRESHOLD = 1.5
TAX_RATE = 0.15
T = 16384

_NS = 16
_L = 16
_TOK = T // _NS
_CHUNKS = _TOK // _L

_mesh = plsc.VectorSubcoreMesh(
    core_axis_name="c", subcore_axis_name="s", num_cores=1)


@functools.partial(
    pl.kernel,
    out_type=(
        jax.ShapeDtypeStruct((NUM_LAYERS * NUM_EXPERTS,), jnp.float32),
        jax.ShapeDtypeStruct((NUM_LAYERS,), jnp.float32),
    ),
    mesh=_mesh,
    compiler_params=pltpu.CompilerParams(needs_layout_passes=False),
    scratch_types=dict(
        tl_v=pltpu.VMEM((_TOK,), jnp.float32),
        co_v=pltpu.VMEM((_TOK,), jnp.float32),
        od_v=pltpu.VMEM((_TOK,), jnp.float32),
        w_v=pltpu.VMEM((_TOK,), jnp.int32),
        part_v=pltpu.VMEM((48,), jnp.float32),
        shared=pltpu.VMEM_SHARED((_NS, 48), jnp.float32),
        red_v=pltpu.VMEM((_NS, 48), jnp.float32),
        ca_v=pltpu.VMEM((NUM_LAYERS * NUM_EXPERTS,), jnp.float32),
        bl_v=pltpu.VMEM((NUM_LAYERS + _L,), jnp.float32),
        li_v=pltpu.VMEM((_L,), jnp.int32),
        sem=pltpu.SemaphoreType.DMA,
        sem2=pltpu.SemaphoreType.DMA,
        sem_pref=pltpu.SemaphoreType.DMA,
    ),
)
def _sc_update(caps_hbm, bl_hbm, tl_hbm, co_hbm, od_hbm, w_hbm, lidx_hbm,
               caps_out_hbm, bl_out_hbm,
               tl_v, co_v, od_v, w_v, part_v, shared, red_v,
               ca_v, bl_v, li_v, sem, sem2, sem_pref):
    sid = lax.axis_index("s")
    base = sid * _TOK

    @pl.when(sid == 0)
    def _():
        pltpu.async_copy(caps_hbm, ca_v, sem_pref)
        pltpu.async_copy(bl_hbm, bl_v.at[pl.ds(0, NUM_LAYERS)], sem_pref)
        pltpu.async_copy(lidx_hbm, li_v.at[pl.ds(0, 1)], sem_pref)

    half = _TOK // 2
    h1 = [pltpu.async_copy(src.at[pl.ds(base, half)], dst.at[pl.ds(0, half)],
                           sem)
          for src, dst in ((tl_hbm, tl_v), (co_hbm, co_v), (od_hbm, od_v),
                           (w_hbm, w_v))]
    h2 = [pltpu.async_copy(src.at[pl.ds(base + half, half)],
                           dst.at[pl.ds(half, half)], sem2)
          for src, dst in ((tl_hbm, tl_v), (co_hbm, co_v), (od_hbm, od_v),
                           (w_hbm, w_v))]

    zeros = jnp.zeros((_L,), jnp.float32)
    for k in range(3):
        part_v[pl.ds(16 * k, 16)] = zeros
    for c in h1:
        c.wait()

    def body(i, s_acc):
        off = i * _L
        tl = tl_v[pl.ds(off, _L)]
        od = od_v[pl.ds(off, _L)]
        co = co_v[pl.ds(off, _L)]
        w = w_v[pl.ds(off, _L)]
        r = 1.0 + od
        plsc.addupdate_scatter(part_v, [w], r)
        plsc.addupdate_scatter(part_v, [w + 16], tl * r + co)
        return s_acc + tl

    s_vec = lax.fori_loop(0, _CHUNKS // 2, body, zeros)
    for c in h2:
        c.wait()
    s_vec = lax.fori_loop(_CHUNKS // 2, _CHUNKS, body, s_vec)
    part_v[pl.ds(32, 16)] = s_vec

    pltpu.sync_copy(part_v, shared.at[sid])
    plsc.subcore_barrier()

    @pl.when(sid == 0)
    def _():
        pltpu.make_async_copy(caps_hbm, ca_v, sem_pref).wait()
        pltpu.make_async_copy(bl_hbm, bl_v.at[pl.ds(0, NUM_LAYERS)],
                              sem_pref).wait()
        pltpu.make_async_copy(lidx_hbm, li_v.at[pl.ds(0, 1)],
                              sem_pref).wait()
        pltpu.sync_copy(shared, red_v)

        acc = [jnp.zeros((_L,), jnp.float32) for _ in range(3)]
        for j in range(_NS):
            for k in range(3):
                acc[k] = acc[k] + red_v[j, pl.ds(16 * k, 16)]
        a_e, d_e, s_part = acc

        li_raw = li_v[pl.ds(0, _L)][0]
        li = jnp.clip(li_raw, 0, NUM_LAYERS - 1)
        base_vec = bl_v[pl.ds(li, _L)]
        base_s = base_vec[0]
        s_tot = jnp.sum(s_part)
        nb_s = 0.99 * base_s + 0.01 * (s_tot * (1.0 / float(T)))

        row = ca_v[pl.ds(li * NUM_EXPERTS, NUM_EXPERTS)]
        caps = row + nb_s * a_e - d_e

        avg = jnp.sum(caps) * (1.0 / NUM_EXPERTS)
        thresh = avg * TAX_THRESHOLD
        caps = jnp.where(caps > thresh, caps - (caps - thresh) * TAX_RATE, caps)

        min_cap = TOTAL_CAPITAL * MIN_SHARE / NUM_EXPERTS
        caps = jnp.maximum(caps, min_cap)

        total = jnp.sum(caps)
        caps = jnp.where(total > TOTAL_CAPITAL * 1.5, caps * 0.95,
                         jnp.where(total < TOTAL_CAPITAL * 0.5,
                                   caps + TOTAL_CAPITAL * 0.01, caps))

        ca_v[pl.ds(li * NUM_EXPERTS, NUM_EXPERTS)] = caps
        lane0 = lax.iota(jnp.int32, _L) == 0
        bl_v[pl.ds(li, _L)] = jnp.where(lane0, nb_s, base_vec)
        o1 = pltpu.async_copy(ca_v, caps_out_hbm, sem)
        o2 = pltpu.async_copy(bl_v.at[pl.ds(0, NUM_LAYERS)], bl_out_hbm, sem)
        o1.wait()
        o2.wait()


def kernel(capitals, baseline_losses, token_losses, costs, odds, winners,
           layer_idx):
    lidx = jnp.asarray(layer_idx, jnp.int32).reshape(1)
    caps_out, bl_out = _sc_update(
        capitals.reshape(-1),
        baseline_losses,
        token_losses.astype(jnp.float32),
        costs.astype(jnp.float32),
        odds.astype(jnp.float32),
        winners.astype(jnp.int32),
        lidx,
    )
    return (caps_out.reshape(NUM_LAYERS, NUM_EXPERTS), bl_out)

# --- scband reference (transcript-rebuilt; emitter-appended) ---
"""Pipeline reference for scband-capital-manager-70617852281188 (READ-ONLY COPY).

The authoritative reference and input builder live on the scoring server;
editing this copy changes nothing except your own understanding.
"""

import jax, jax.numpy as jnp
import numpy as np

NUM_LAYERS = 24
NUM_EXPERTS = 16
TOTAL_CAPITAL = 10000.0
MIN_SHARE = 0.05
TAX_THRESHOLD = 1.5
TAX_RATE = 0.15
T = 16384


def setup_inputs(seed: int = 0) -> dict:
    key = jax.random.key(seed)
    k1, k2, k3, k4 = jax.random.split(key, 4)
    winners = jax.random.randint(k1, (T,), 0, NUM_EXPERTS)
    token_losses = jax.random.uniform(k2, (T,), dtype=jnp.float32)
    costs = jax.random.uniform(k3, (T,), dtype=jnp.float32)
    odds = jax.random.uniform(k4, (T,), dtype=jnp.float32)
    init_cap = TOTAL_CAPITAL / NUM_EXPERTS
    capitals = jnp.ones((NUM_LAYERS, NUM_EXPERTS), dtype=jnp.float32) * init_cap
    baseline_losses = jnp.ones((NUM_LAYERS,), dtype=jnp.float32) * 5.0
    return {
        "capitals": capitals,
        "baseline_losses": baseline_losses,
        "token_losses": token_losses,
        "costs": costs,
        "odds": odds,
        "winners": winners,
        "layer_idx": 5,
    }


def reference(capitals, baseline_losses, token_losses, costs, odds, winners, layer_idx):
    # baseline EMA update (done first in torch code, then used below)
    avg_loss = token_losses.mean()
    new_baseline = 0.99 * baseline_losses[layer_idx] + 0.01 * avg_loss

    caps = capitals[layer_idx]
    # vectorized version of the per-expert python loop: per-token profit,
    # scatter-added (segment_sum) into the winning expert's capital.
    performance = new_baseline - token_losses
    revenue = performance * (1.0 + odds)
    profit = revenue - costs
    profit_per_expert = jax.ops.segment_sum(profit, winners, num_segments=NUM_EXPERTS)
    # experts with no tokens get a zero segment sum, matching the torch 'continue'
    caps = caps + profit_per_expert

    # wealth tax on experts above tax_threshold * mean capital
    avg_cap = caps.mean()
    thresh = avg_cap * TAX_THRESHOLD
    caps = jnp.where(caps > thresh, caps - (caps - thresh) * TAX_RATE, caps)

    # minimum share floor
    min_cap = TOTAL_CAPITAL * MIN_SHARE / NUM_EXPERTS
    caps = jnp.maximum(caps, min_cap)

    # global re-normalization branches
    total = caps.sum()
    caps = jnp.where(
        total > TOTAL_CAPITAL * 1.5,
        caps * 0.95,
        jnp.where(total < TOTAL_CAPITAL * 0.5, caps + TOTAL_CAPITAL * 0.01, caps),
    )

    new_capitals = capitals.at[layer_idx].set(caps)
    new_baselines = baseline_losses.at[layer_idx].set(new_baseline)
    return (new_capitals, new_baselines)

if __name__ == "__main__":
    import jax
    _d = setup_inputs()
    print(jax.jit(kernel)(*tuple(_d.values())))

</pallas_src>

<mosaic_0001>
#map = affine_map<(d0, d1) -> (0)>
module attributes {stable_mosaic.version = 14 : i64} {
  func.func @_sc_update(%arg0: i32, %arg1: i32, %arg2: memref<384xf32, #tpu.memory_space<hbm>>, %arg3: memref<24xf32, #tpu.memory_space<hbm>>, %arg4: memref<16384xf32, #tpu.memory_space<hbm>>, %arg5: memref<16384xf32, #tpu.memory_space<hbm>>, %arg6: memref<16384xf32, #tpu.memory_space<hbm>>, %arg7: memref<16384xi32, #tpu.memory_space<hbm>>, %arg8: memref<1xi32, #tpu.memory_space<hbm>>, %arg9: memref<384xf32, #tpu.memory_space<hbm>>, %arg10: memref<24xf32, #tpu.memory_space<hbm>>, %arg11: memref<40xf32, #tpu.memory_space<vmem>>, %arg12: memref<384xf32, #tpu.memory_space<vmem>>, %arg13: memref<1024xf32, #tpu.memory_space<vmem>>, %arg14: memref<16xi32, #tpu.memory_space<vmem>>, %arg15: memref<1024xf32, #tpu.memory_space<vmem>>, %arg16: memref<48xf32, #tpu.memory_space<vmem>>, %arg17: memref<16x48xf32, #tpu.memory_space<vmem>>, %arg18: memref<!tpu.dma_semaphore, #tpu.memory_space<semaphore_mem>>, %arg19: memref<!tpu.dma_semaphore, #tpu.memory_space<semaphore_mem>>, %arg20: memref<!tpu.dma_semaphore, #tpu.memory_space<semaphore_mem>>, %arg21: memref<16x48xf32, #tpu.memory_space<vmem_shared>>, %arg22: memref<1024xf32, #tpu.memory_space<vmem>>, %arg23: memref<1024xi32, #tpu.memory_space<vmem>>) attributes {dimension_semantics = [#tpu.dimension_semantics<core_parallel>, #tpu.dimension_semantics<subcore_parallel>], iteration_bounds = array<i64: 1, 16>, scalar_prefetch = 0 : i64, scratch_operands = 13 : i64, tpu.core_type = #tpu.core_type<sc_vector_subcore>, window_params = [{transform_indices = #map}, {transform_indices = #map}, {transform_indices = #map}, {transform_indices = #map}, {transform_indices = #map}, {transform_indices = #map}, {transform_indices = #map}, {transform_indices = #map}, {transform_indices = #map}]} {
    %mul3A = arith.constant 1024 : i32
    %mul3A_0 = arith.muli %arg1, %mul3A : i32
    %eq3A = arith.constant 0 : i32
    %eq3A_1 = arith.cmpi eq, %arg1, %eq3A : i32
    %convert_element_type3A = arith.extui %eq3A_1 : i1 to i32
    %cond3A = arith.constant 0 : i32
    %cond3A_2 = arith.cmpi ne, %convert_element_type3A, %cond3A : i32
    scf.if %cond3A_2 {
      tpu.enqueue_dma source(%arg2 : memref<384xf32, #tpu.memory_space<hbm>>) target(%arg12 : memref<384xf32, #tpu.memory_space<vmem>>) target_semaphore(%arg20 : memref<!tpu.dma_semaphore, #tpu.memory_space<semaphore_mem>>)
      %dma_start3A_128 = arith.constant 0 : i32
      %dma_start3A_129 = tpu.memref_slice %arg11[%dma_start3A_128] : memref<40xf32, #tpu.memory_space<vmem>> -> memref<24xf32, #tpu.memory_space<vmem>>
      %dma_start3A_130 = arith.constant 0 : i32
      %dma_start3A_131 = tpu.memref_slice %arg11[%dma_start3A_130] : memref<40xf32, #tpu.memory_space<vmem>> -> memref<24xf32, #tpu.memory_space<vmem>>
      tpu.enqueue_dma source(%arg3 : memref<24xf32, #tpu.memory_space<hbm>>) target(%dma_start3A_131 : memref<24xf32, #tpu.memory_space<vmem>>) target_semaphore(%arg20 : memref<!tpu.dma_semaphore, #tpu.memory_space<semaphore_mem>>)
      %dma_start3A_132 = arith.constant 0 : i32
      %dma_start3A_133 = tpu.memref_slice %arg14[%dma_start3A_132] : memref<16xi32, #tpu.memory_space<vmem>> -> memref<1xi32, #tpu.memory_space<vmem>>
      %dma_start3A_134 = arith.constant 0 : i32
      %dma_start3A_135 = tpu.memref_slice %arg14[%dma_start3A_134] : memref<16xi32, #tpu.memory_space<vmem>> -> memref<1xi32, #tpu.memory_space<vmem>>
      tpu.enqueue_dma source(%arg8 : memref<1xi32, #tpu.memory_space<hbm>>) target(%dma_start3A_135 : memref<1xi32, #tpu.memory_space<vmem>>) target_semaphore(%arg20 : memref<!tpu.dma_semaphore, #tpu.memory_space<semaphore_mem>>)
    } else {
    }
    %dma_start3A = arith.constant 0 : i32
    %dma_start3A_3 = tpu.memref_slice %arg22[%dma_start3A] : memref<1024xf32, #tpu.memory_space<vmem>> -> memref<512xf32, #tpu.memory_space<vmem>>
    %dma_start3A_4 = tpu.memref_slice %arg4[%mul3A_0] : memref<16384xf32, #tpu.memory_space<hbm>> -> memref<512xf32, #tpu.memory_space<hbm>>
    %dma_start3A_5 = arith.constant 0 : i32
    %dma_start3A_6 = tpu.memref_slice %arg22[%dma_start3A_5] : memref<1024xf32, #tpu.memory_space<vmem>> -> memref<512xf32, #tpu.memory_space<vmem>>
    %dma_start3A_7 = tpu.memref_slice %arg4[%mul3A_0] : memref<16384xf32, #tpu.memory_space<hbm>> -> memref<512xf32, #tpu.memory_space<hbm>>
    tpu.enqueue_dma source(%dma_start3A_7 : memref<512xf32, #tpu.memory_space<hbm>>) target(%dma_start3A_6 : memref<512xf32, #tpu.memory_space<vmem>>) target_semaphore(%arg18 : memref<!tpu.dma_semaphore, #tpu.memory_space<semaphore_mem>>)
    %dma_start3A_8 = arith.constant 0 : i32
    %dma_start3A_9 = tpu.memref_slice %arg13[%dma_start3A_8] : memref<1024xf32, #tpu.memory_space<vmem>> -> memref<512xf32, #tpu.memory_space<vmem>>
    %dma_start3A_10 = tpu.memref_slice %arg5[%mul3A_0] : memref<16384xf32, #tpu.memory_space<hbm>> -> memref<512xf32, #tpu.memory_space<hbm>>
    %dma_start3A_11 = arith.constant 0 : i32
    %dma_start3A_12 = tpu.memref_slice %arg13[%dma_start3A_11] : memref<1024xf32, #tpu.memory_space<vmem>> -> memref<512xf32, #tpu.memory_space<vmem>>
    %dma_start3A_13 = tpu.memref_slice %arg5[%mul3A_0] : memref<16384xf32, #tpu.memory_space<hbm>> -> memref<512xf32, #tpu.memory_space<hbm>>
    tpu.enqueue_dma source(%dma_start3A_13 : memref<512xf32, #tpu.memory_space<hbm>>) target(%dma_start3A_12 : memref<512xf32, #tpu.memory_space<vmem>>) target_semaphore(%arg18 : memref<!tpu.dma_semaphore, #tpu.memory_space<semaphore_mem>>)
    %dma_start3A_14 = arith.constant 0 : i32
    %dma_start3A_15 = tpu.memref_slice %arg15[%dma_start3A_14] : memref<1024xf32, #tpu.memory_space<vmem>> -> memref<512xf32, #tpu.memory_space<vmem>>
    %dma_start3A_16 = tpu.memref_slice %arg6[%mul3A_0] : memref<16384xf32, #tpu.memory_space<hbm>> -> memref<512xf32, #tpu.memory_space<hbm>>
    %dma_start3A_17 = arith.constant 0 : i32
    %dma_start3A_18 = tpu.memref_slice %arg15[%dma_start3A_17] : memref<1024xf32, #tpu.memory_space<vmem>> -> memref<512xf32, #tpu.memory_space<vmem>>
    %dma_start3A_19 = tpu.memref_slice %arg6[%mul3A_0] : memref<16384xf32, #tpu.memory_space<hbm>> -> memref<512xf32, #tpu.memory_space<hbm>>
    tpu.enqueue_dma source(%dma_start3A_19 : memref<512xf32, #tpu.memory_space<hbm>>) target(%dma_start3A_18 : memref<512xf32, #tpu.memory_space<vmem>>) target_semaphore(%arg18 : memref<!tpu.dma_semaphore, #tpu.memory_space<semaphore_mem>>)
    %dma_start3A_20 = arith.constant 0 : i32
    %dma_start3A_21 = tpu.memref_slice %arg23[%dma_start3A_20] : memref<1024xi32, #tpu.memory_space<vmem>> -> memref<512xi32, #tpu.memory_space<vmem>>
    %dma_start3A_22 = tpu.memref_slice %arg7[%mul3A_0] : memref<16384xi32, #tpu.memory_space<hbm>> -> memref<512xi32, #tpu.memory_space<hbm>>
    %dma_start3A_23 = arith.constant 0 : i32
    %dma_start3A_24 = tpu.memref_slice %arg23[%dma_start3A_23] : memref<1024xi32, #tpu.memory_space<vmem>> -> memref<512xi32, #tpu.memory_space<vmem>>
    %dma_start3A_25 = tpu.memref_slice %arg7[%mul3A_0] : memref<16384xi32, #tpu.memory_space<hbm>> -> memref<512xi32, #tpu.memory_space<hbm>>
    tpu.enqueue_dma source(%dma_start3A_25 : memref<512xi32, #tpu.memory_space<hbm>>) target(%dma_start3A_24 : memref<512xi32, #tpu.memory_space<vmem>>) target_semaphore(%arg18 : memref<!tpu.dma_semaphore, #tpu.memory_space<semaphore_mem>>)
    %add3A = arith.constant 512 : i32
    %add3A_26 = arith.addi %mul3A_0, %add3A : i32
    %dma_start3A_27 = arith.constant 512 : i32
    %dma_start3A_28 = tpu.memref_slice %arg22[%dma_start3A_27] : memref<1024xf32, #tpu.memory_space<vmem>> -> memref<512xf32, #tpu.memory_space<vmem>>
    %dma_start3A_29 = tpu.memref_slice %arg4[%add3A_26] : memref<16384xf32, #tpu.memory_space<hbm>> -> memref<512xf32, #tpu.memory_space<hbm>>
    %dma_start3A_30 = arith.constant 512 : i32
    %dma_start3A_31 = tpu.memref_slice %arg22[%dma_start3A_30] : memref<1024xf32, #tpu.memory_space<vmem>> -> memref<512xf32, #tpu.memory_space<vmem>>
    %dma_start3A_32 = tpu.memref_slice %arg4[%add3A_26] : memref<16384xf32, #tpu.memory_space<hbm>> -> memref<512xf32, #tpu.memory_space<hbm>>
    tpu.enqueue_dma source(%dma_start3A_32 : memref<512xf32, #tpu.memory_space<hbm>>) target(%dma_start3A_31 : memref<512xf32, #tpu.memory_space<vmem>>) target_semaphore(%arg19 : memref<!tpu.dma_semaphore, #tpu.memory_space<semaphore_mem>>)
    %add3A_33 = arith.constant 512 : i32
    %add3A_34 = arith.addi %mul3A_0, %add3A_33 : i32
    %dma_start3A_35 = arith.constant 512 : i32
    %dma_start3A_36 = tpu.memref_slice %arg13[%dma_start3A_35] : memref<1024xf32, #tpu.memory_space<vmem>> -> memref<512xf32, #tpu.memory_space<vmem>>
    %dma_start3A_37 = tpu.memref_slice %arg5[%add3A_34] : memref<16384xf32, #tpu.memory_space<hbm>> -> memref<512xf32, #tpu.memory_space<hbm>>
    %dma_start3A_38 = arith.constant 512 : i32
    %dma_start3A_39 = tpu.memref_slice %arg13[%dma_start3A_38] : memref<1024xf32, #tpu.memory_space<vmem>> -> memref<512xf32, #tpu.memory_space<vmem>>
    %dma_start3A_40 = tpu.memref_slice %arg5[%add3A_34] : memref<16384xf32, #tpu.memory_space<hbm>> -> memref<512xf32, #tpu.memory_space<hbm>>
    tpu.enqueue_dma source(%dma_start3A_40 : memref<512xf32, #tpu.memory_space<hbm>>) target(%dma_start3A_39 : memref<512xf32, #tpu.memory_space<vmem>>) target_semaphore(%arg19 : memref<!tpu.dma_semaphore, #tpu.memory_space<semaphore_mem>>)
    %add3A_41 = arith.constant 512 : i32
    %add3A_42 = arith.addi %mul3A_0, %add3A_41 : i32
    %dma_start3A_43 = arith.constant 512 : i32
    %dma_start3A_44 = tpu.memref_slice %arg15[%dma_start3A_43] : memref<1024xf32, #tpu.memory_space<vmem>> -> memref<512xf32, #tpu.memory_space<vmem>>
    %dma_start3A_45 = tpu.memref_slice %arg6[%add3A_42] : memref<16384xf32, #tpu.memory_space<hbm>> -> memref<512xf32, #tpu.memory_space<hbm>>
    %dma_start3A_46 = arith.constant 512 : i32
    %dma_start3A_47 = tpu.memref_slice %arg15[%dma_start3A_46] : memref<1024xf32, #tpu.memory_space<vmem>> -> memref<512xf32, #tpu.memory_space<vmem>>
    %dma_start3A_48 = tpu.memref_slice %arg6[%add3A_42] : memref<16384xf32, #tpu.memory_space<hbm>> -> memref<512xf32, #tpu.memory_space<hbm>>
    tpu.enqueue_dma source(%dma_start3A_48 : memref<512xf32, #tpu.memory_space<hbm>>) target(%dma_start3A_47 : memref<512xf32, #tpu.memory_space<vmem>>) target_semaphore(%arg19 : memref<!tpu.dma_semaphore, #tpu.memory_space<semaphore_mem>>)
    %add3A_49 = arith.constant 512 : i32
    %add3A_50 = arith.addi %mul3A_0, %add3A_49 : i32
    %dma_start3A_51 = arith.constant 512 : i32
    %dma_start3A_52 = tpu.memref_slice %arg23[%dma_start3A_51] : memref<1024xi32, #tpu.memory_space<vmem>> -> memref<512xi32, #tpu.memory_space<vmem>>
    %dma_start3A_53 = tpu.memref_slice %arg7[%add3A_50] : memref<16384xi32, #tpu.memory_space<hbm>> -> memref<512xi32, #tpu.memory_space<hbm>>
    %dma_start3A_54 = arith.constant 512 : i32
    %dma_start3A_55 = tpu.memref_slice %arg23[%dma_start3A_54] : memref<1024xi32, #tpu.memory_space<vmem>> -> memref<512xi32, #tpu.memory_space<vmem>>
    %dma_start3A_56 = tpu.memref_slice %arg7[%add3A_50] : memref<16384xi32, #tpu.memory_space<hbm>> -> memref<512xi32, #tpu.memory_space<hbm>>
    tpu.enqueue_dma source(%dma_start3A_56 : memref<512xi32, #tpu.memory_space<hbm>>) target(%dma_start3A_55 : memref<512xi32, #tpu.memory_space<vmem>>) target_semaphore(%arg19 : memref<!tpu.dma_semaphore, #tpu.memory_space<semaphore_mem>>)
    %broadcast_in_dim3A = arith.constant 0.000000e+00 : f32
    %broadcast_in_dim3A_57 = vector.broadcast %broadcast_in_dim3A : f32 to vector<16xf32>
    %swap3A = arith.constant 0 : index
    %swap3A_58 = tpu.vector_load %arg16[%swap3A] {strides = array<i32>} : memref<48xf32, #tpu.memory_space<vmem>>, vector<16xf32>,
    tpu.vector_store %arg16[%swap3A], %broadcast_in_dim3A_57 {strides = array<i32>} : memref<48xf32, #tpu.memory_space<vmem>>, vector<16xf32>,
    %swap3A_59 = arith.constant 16 : index
    %swap3A_60 = tpu.vector_load %arg16[%swap3A_59] {strides = array<i32>} : memref<48xf32, #tpu.memory_space<vmem>>, vector<16xf32>,
    tpu.vector_store %arg16[%swap3A_59], %broadcast_in_dim3A_57 {strides = array<i32>} : memref<48xf32, #tpu.memory_space<vmem>>, vector<16xf32>,
    %swap3A_61 = arith.constant 32 : index
    %swap3A_62 = tpu.vector_load %arg16[%swap3A_61] {strides = array<i32>} : memref<48xf32, #tpu.memory_space<vmem>>, vector<16xf32>,
    tpu.vector_store %arg16[%swap3A_61], %broadcast_in_dim3A_57 {strides = array<i32>} : memref<48xf32, #tpu.memory_space<vmem>>, vector<16xf32>,
    %dma_wait3A = arith.constant 0 : i32
    %dma_wait3A_63 = tpu.memref_slice %arg22[%dma_wait3A] : memref<1024xf32, #tpu.memory_space<vmem>> -> memref<512xf32, #tpu.memory_space<vmem>>
    %dma_wait3A_64 = tpu.memref_slice %arg4[%mul3A_0] : memref<16384xf32, #tpu.memory_space<hbm>> -> memref<512xf32, #tpu.memory_space<hbm>>
    %dma_wait3A_65 = arith.constant 0 : i32
    %dma_wait3A_66 = tpu.memref_slice %arg22[%dma_wait3A_65] : memref<1024xf32, #tpu.memory_space<vmem>> -> memref<512xf32, #tpu.memory_space<vmem>>
    %dma_wait3A_67 = tpu.memref_slice %arg4[%mul3A_0] : memref<16384xf32, #tpu.memory_space<hbm>> -> memref<512xf32, #tpu.memory_space<hbm>>
    tpu.wait_dma2 semaphore(%arg18 : memref<!tpu.dma_semaphore, #tpu.memory_space<semaphore_mem>>) src(%dma_wait3A_67 : memref<512xf32, #tpu.memory_space<hbm>>) dst(%dma_wait3A_66 : memref<512xf32, #tpu.memory_space<vmem>>)
    %dma_wait3A_68 = arith.constant 0 : i32
    %dma_wait3A_69 = tpu.memref_slice %arg13[%dma_wait3A_68] : memref<1024xf32, #tpu.memory_space<vmem>> -> memref<512xf32, #tpu.memory_space<vmem>>
    %dma_wait3A_70 = tpu.memref_slice %arg5[%mul3A_0] : memref<16384xf32, #tpu.memory_space<hbm>> -> memref<512xf32, #tpu.memory_space<hbm>>
    %dma_wait3A_71 = arith.constant 0 : i32
    %dma_wait3A_72 = tpu.memref_slice %arg13[%dma_wait3A_71] : memref<1024xf32, #tpu.memory_space<vmem>> -> memref<512xf32, #tpu.memory_space<vmem>>
    %dma_wait3A_73 = tpu.memref_slice %arg5[%mul3A_0] : memref<16384xf32, #tpu.memory_space<hbm>> -> memref<512xf32, #tpu.memory_space<hbm>>
    tpu.wait_dma2 semaphore(%arg18 : memref<!tpu.dma_semaphore, #tpu.memory_space<semaphore_mem>>) src(%dma_wait3A_73 : memref<512xf32, #tpu.memory_space<hbm>>) dst(%dma_wait3A_72 : memref<512xf32, #tpu.memory_space<vmem>>)
    %dma_wait3A_74 = arith.constant 0 : i32
    %dma_wait3A_75 = tpu.memref_slice %arg15[%dma_wait3A_74] : memref<1024xf32, #tpu.memory_space<vmem>> -> memref<512xf32, #tpu.memory_space<vmem>>
    %dma_wait3A_76 = tpu.memref_slice %arg6[%mul3A_0] : memref<16384xf32, #tpu.memory_space<hbm>> -> memref<512xf32, #tpu.memory_space<hbm>>
    %dma_wait3A_77 = arith.constant 0 : i32
    %dma_wait3A_78 = tpu.memref_slice %arg15[%dma_wait3A_77] : memref<1024xf32, #tpu.memory_space<vmem>> -> memref<512xf32, #tpu.memory_space<vmem>>
    %dma_wait3A_79 = tpu.memref_slice %arg6[%mul3A_0] : memref<16384xf32, #tpu.memory_space<hbm>> -> memref<512xf32, #tpu.memory_space<hbm>>
    tpu.wait_dma2 semaphore(%arg18 : memref<!tpu.dma_semaphore, #tpu.memory_space<semaphore_mem>>) src(%dma_wait3A_79 : memref<512xf32, #tpu.memory_space<hbm>>) dst(%dma_wait3A_78 : memref<512xf32, #tpu.memory_space<vmem>>)
    %dma_wait3A_80 = arith.constant 0 : i32
    %dma_wait3A_81 = tpu.memref_slice %arg23[%dma_wait3A_80] : memref<1024xi32, #tpu.memory_space<vmem>> -> memref<512xi32, #tpu.memory_space<vmem>>
    %dma_wait3A_82 = tpu.memref_slice %arg7[%mul3A_0] : memref<16384xi32, #tpu.memory_space<hbm>> -> memref<512xi32, #tpu.memory_space<hbm>>
    %dma_wait3A_83 = arith.constant 0 : i32
    %dma_wait3A_84 = tpu.memref_slice %arg23[%dma_wait3A_83] : memref<1024xi32, #tpu.memory_space<vmem>> -> memref<512xi32, #tpu.memory_space<vmem>>
    %dma_wait3A_85 = tpu.memref_slice %arg7[%mul3A_0] : memref<16384xi32, #tpu.memory_space<hbm>> -> memref<512xi32, #tpu.memory_space<hbm>>
    tpu.wait_dma2 semaphore(%arg18 : memref<!tpu.dma_semaphore, #tpu.memory_space<semaphore_mem>>) src(%dma_wait3A_85 : memref<512xi32, #tpu.memory_space<hbm>>) dst(%dma_wait3A_84 : memref<512xi32, #tpu.memory_space<vmem>>)
    %scan3A = arith.constant 0 : i32
    %scan3A_86 = arith.constant 32 : i32
    %scan3A_87 = arith.addi %scan3A, %scan3A_86 : i32
    %scan3A_88 = arith.constant 1 : i32
    %scan3A_89 = scf.for %scan3A_128 = %scan3A to %scan3A_87 step %scan3A_88 iter_args(%scan3A_129 = %broadcast_in_dim3A_57) -> (vector<16xf32>)  : i32 {
      %mul3A_130 = arith.constant 16 : i32
      %mul3A_131 = arith.muli %scan3A_128, %mul3A_130 : i32
      %get3A = arith.index_cast %mul3A_131 : i32 to index
      %get3A_132 = tpu.vector_load %arg22[%get3A] {strides = array<i32>} : memref<1024xf32, #tpu.memory_space<vmem>>, vector<16xf32>,
      %get3A_133 = arith.index_cast %mul3A_131 : i32 to index
      %get3A_134 = tpu.vector_load %arg15[%get3A_133] {strides = array<i32>} : memref<1024xf32, #tpu.memory_space<vmem>>, vector<16xf32>,
      %get3A_135 = arith.index_cast %mul3A_131 : i32 to index
      %get3A_136 = tpu.vector_load %arg13[%get3A_135] {strides = array<i32>} : memref<1024xf32, #tpu.memory_space<vmem>>, vector<16xf32>,
      %get3A_137 = arith.index_cast %mul3A_131 : i32 to index
      %get3A_138 = tpu.vector_load %arg23[%get3A_137] {strides = array<i32>} : memref<1024xi32, #tpu.memory_space<vmem>>, vector<16xi32>,
      %add3A_139 = arith.constant 1.000000e+00 : f32
      %add3A_140 = vector.broadcast %add3A_139 : f32 to vector<16xf32>
      %add3A_141 = arith.addf %add3A_140, %get3A_134 : vector<16xf32>
      tpu.vector_store_idx %arg16[%get3A_138], %add3A_141 {add = true} : memref<48xf32, #tpu.memory_space<vmem>>[vector<16xi32>], vector<16xf32>,
      %add3A_142 = arith.constant 16 : i32
      %add3A_143 = vector.broadcast %add3A_142 : i32 to vector<16xi32>
      %add3A_144 = arith.addi %get3A_138, %add3A_143 : vector<16xi32>
      %mul3A_145 = arith.mulf %get3A_132, %add3A_141 : vector<16xf32>
      %add3A_146 = arith.addf %mul3A_145, %get3A_136 : vector<16xf32>
      tpu.vector_store_idx %arg16[%add3A_144], %add3A_146 {add = true} : memref<48xf32, #tpu.memory_space<vmem>>[vector<16xi32>], vector<16xf32>,
      %add3A_147 = arith.addf %scan3A_129, %get3A_132 : vector<16xf32>
      scf.yield %add3A_147 : vector<16xf32>
    }
    %scan3A_90 = arith.constant 32 : i32
    %dma_wait3A_91 = arith.constant 512 : i32
    %dma_wait3A_92 = tpu.memref_slice %arg22[%dma_wait3A_91] : memref<1024xf32, #tpu.memory_space<vmem>> -> memref<512xf32, #tpu.memory_space<vmem>>
    %dma_wait3A_93 = tpu.memref_slice %arg4[%add3A_26] : memref<16384xf32, #tpu.memory_space<hbm>> -> memref<512xf32, #tpu.memory_space<hbm>>
    %dma_wait3A_94 = arith.constant 512 : i32
    %dma_wait3A_95 = tpu.memref_slice %arg22[%dma_wait3A_94] : memref<1024xf32, #tpu.memory_space<vmem>> -> memref<512xf32, #tpu.memory_space<vmem>>
    %dma_wait3A_96 = tpu.memref_slice %arg4[%add3A_26] : memref<16384xf32, #tpu.memory_space<hbm>> -> memref<512xf32, #tpu.memory_space<hbm>>
    tpu.wait_dma2 semaphore(%arg19 : memref<!tpu.dma_semaphore, #tpu.memory_space<semaphore_mem>>) src(%dma_wait3A_96 : memref<512xf32, #tpu.memory_space<hbm>>) dst(%dma_wait3A_95 : memref<512xf32, #tpu.memory_space<vmem>>)
    %dma_wait3A_97 = arith.constant 512 : i32
    %dma_wait3A_98 = tpu.memref_slice %arg13[%dma_wait3A_97] : memref<1024xf32, #tpu.memory_space<vmem>> -> memref<512xf32, #tpu.memory_space<vmem>>
    %dma_wait3A_99 = tpu.memref_slice %arg5[%add3A_34] : memref<16384xf32, #tpu.memory_space<hbm>> -> memref<512xf32, #tpu.memory_space<hbm>>
    %dma_wait3A_100 = arith.constant 512 : i32
    %dma_wait3A_101 = tpu.memref_slice %arg13[%dma_wait3A_100] : memref<1024xf32, #tpu.memory_space<vmem>> -> memref<512xf32, #tpu.memory_space<vmem>>
    %dma_wait3A_102 = tpu.memref_slice %arg5[%add3A_34] : memref<16384xf32, #tpu.memory_space<hbm>> -> memref<512xf32, #tpu.memory_space<hbm>>
    tpu.wait_dma2 semaphore(%arg19 : memref<!tpu.dma_semaphore, #tpu.memory_space<semaphore_mem>>) src(%dma_wait3A_102 : memref<512xf32, #tpu.memory_space<hbm>>) dst(%dma_wait3A_101 : memref<512xf32, #tpu.memory_space<vmem>>)
    %dma_wait3A_103 = arith.constant 512 : i32
    %dma_wait3A_104 = tpu.memref_slice %arg15[%dma_wait3A_103] : memref<1024xf32, #tpu.memory_space<vmem>> -> memref<512xf32, #tpu.memory_space<vmem>>
    %dma_wait3A_105 = tpu.memref_slice %arg6[%add3A_42] : memref<16384xf32, #tpu.memory_space<hbm>> -> memref<512xf32, #tpu.memory_space<hbm>>
    %dma_wait3A_106 = arith.constant 512 : i32
    %dma_wait3A_107 = tpu.memref_slice %arg15[%dma_wait3A_106] : memref<1024xf32, #tpu.memory_space<vmem>> -> memref<512xf32, #tpu.memory_space<vmem>>
    %dma_wait3A_108 = tpu.memref_slice %arg6[%add3A_42] : memref<16384xf32, #tpu.memory_space<hbm>> -> memref<512xf32, #tpu.memory_space<hbm>>
    tpu.wait_dma2 semaphore(%arg19 : memref<!tpu.dma_semaphore, #tpu.memory_space<semaphore_mem>>) src(%dma_wait3A_108 : memref<512xf32, #tpu.memory_space<hbm>>) dst(%dma_wait3A_107 : memref<512xf32, #tpu.memory_space<vmem>>)
    %dma_wait3A_109 = arith.constant 512 : i32
    %dma_wait3A_110 = tpu.memref_slice %arg23[%dma_wait3A_109] : memref<1024xi32, #tpu.memory_space<vmem>> -> memref<512xi32, #tpu.memory_space<vmem>>
    %dma_wait3A_111 = tpu.memref_slice %arg7[%add3A_50] : memref<16384xi32, #tpu.memory_space<hbm>> -> memref<512xi32, #tpu.memory_space<hbm>>
    %dma_wait3A_112 = arith.constant 512 : i32
    %dma_wait3A_113 = tpu.memref_slice %arg23[%dma_wait3A_112] : memref<1024xi32, #tpu.memory_space<vmem>> -> memref<512xi32, #tpu.memory_space<vmem>>
    %dma_wait3A_114 = tpu.memref_slice %arg7[%add3A_50] : memref<16384xi32, #tpu.memory_space<hbm>> -> memref<512xi32, #tpu.memory_space<hbm>>
    tpu.wait_dma2 semaphore(%arg19 : memref<!tpu.dma_semaphore, #tpu.memory_space<semaphore_mem>>) src(%dma_wait3A_114 : memref<512xi32, #tpu.memory_space<hbm>>) dst(%dma_wait3A_113 : memref<512xi32, #tpu.memory_space<vmem>>)
    %scan3A_115 = arith.constant 32 : i32
    %scan3A_116 = arith.constant 32 : i32
    %scan3A_117 = arith.addi %scan3A_115, %scan3A_116 : i32
    %scan3A_118 = arith.constant 1 : i32
    %scan3A_119 = scf.for %scan3A_128 = %scan3A_115 to %scan3A_117 step %scan3A_118 iter_args(%scan3A_129 = %scan3A_89) -> (vector<16xf32>)  : i32 {
      %mul3A_130 = arith.constant 16 : i32
      %mul3A_131 = arith.muli %scan3A_128, %mul3A_130 : i32
      %get3A = arith.index_cast %mul3A_131 : i32 to index
      %get3A_132 = tpu.vector_load %arg22[%get3A] {strides = array<i32>} : memref<1024xf32, #tpu.memory_space<vmem>>, vector<16xf32>,
      %get3A_133 = arith.index_cast %mul3A_131 : i32 to index
      %get3A_134 = tpu.vector_load %arg15[%get3A_133] {strides = array<i32>} : memref<1024xf32, #tpu.memory_space<vmem>>, vector<16xf32>,
      %get3A_135 = arith.index_cast %mul3A_131 : i32 to index
      %get3A_136 = tpu.vector_load %arg13[%get3A_135] {strides = array<i32>} : memref<1024xf32, #tpu.memory_space<vmem>>, vector<16xf32>,
      %get3A_137 = arith.index_cast %mul3A_131 : i32 to index
      %get3A_138 = tpu.vector_load %arg23[%get3A_137] {strides = array<i32>} : memref<1024xi32, #tpu.memory_space<vmem>>, vector<16xi32>,
      %add3A_139 = arith.constant 1.000000e+00 : f32
      %add3A_140 = vector.broadcast %add3A_139 : f32 to vector<16xf32>
      %add3A_141 = arith.addf %add3A_140, %get3A_134 : vector<16xf32>
      tpu.vector_store_idx %arg16[%get3A_138], %add3A_141 {add = true} : memref<48xf32, #tpu.memory_space<vmem>>[vector<16xi32>], vector<16xf32>,
      %add3A_142 = arith.constant 16 : i32
      %add3A_143 = vector.broadcast %add3A_142 : i32 to vector<16xi32>
      %add3A_144 = arith.addi %get3A_138, %add3A_143 : vector<16xi32>
      %mul3A_145 = arith.mulf %get3A_132, %add3A_141 : vector<16xf32>
      %add3A_146 = arith.addf %mul3A_145, %get3A_136 : vector<16xf32>
      tpu.vector_store_idx %arg16[%add3A_144], %add3A_146 {add = true} : memref<48xf32, #tpu.memory_space<vmem>>[vector<16xi32>], vector<16xf32>,
      %add3A_147 = arith.addf %scan3A_129, %get3A_132 : vector<16xf32>
      scf.yield %add3A_147 : vector<16xf32>
    }
    %scan3A_120 = arith.constant 32 : i32
    %swap3A_121 = arith.constant 32 : index
    %swap3A_122 = tpu.vector_load %arg16[%swap3A_121] {strides = array<i32>} : memref<48xf32, #tpu.memory_space<vmem>>, vector<16xf32>,
    tpu.vector_store %arg16[%swap3A_121], %scan3A_119 {strides = array<i32>} : memref<48xf32, #tpu.memory_space<vmem>>, vector<16xf32>,
    "tpu.region"() ({
      %run_scoped3A = tpu.sem_alloc : memref<!tpu.dma_semaphore, #tpu.memory_space<semaphore_mem>>
      %dma_start3A_128 = arith.constant 0 : i32
      %dma_start3A_129 = tpu.memref_slice %arg21[%arg1, %dma_start3A_128] : memref<16x48xf32, #tpu.memory_space<vmem_shared>> -> memref<1x48xf32, #tpu.memory_space<vmem_shared>>
      %dma_start3A_130 = tpu.memref_squeeze %dma_start3A_129 : memref<1x48xf32, #tpu.memory_space<vmem_shared>> -> memref<48xf32, #tpu.memory_space<vmem_shared>>
      %dma_start3A_131 = arith.constant 0 : i32
      %dma_start3A_132 = tpu.memref_slice %arg21[%arg1, %dma_start3A_131] : memref<16x48xf32, #tpu.memory_space<vmem_shared>> -> memref<1x48xf32, #tpu.memory_space<vmem_shared>>
      %dma_start3A_133 = tpu.memref_squeeze %dma_start3A_132 : memref<1x48xf32, #tpu.memory_space<vmem_shared>> -> memref<48xf32, #tpu.memory_space<vmem_shared>>
      tpu.enqueue_dma source(%arg16 : memref<48xf32, #tpu.memory_space<vmem>>) target(%dma_start3A_133 : memref<48xf32, #tpu.memory_space<vmem_shared>>) target_semaphore(%run_scoped3A : memref<!tpu.dma_semaphore, #tpu.memory_space<semaphore_mem>>)
      %dma_wait3A_134 = arith.constant 0 : i32
      %dma_wait3A_135 = tpu.memref_slice %arg21[%arg1, %dma_wait3A_134] : memref<16x48xf32, #tpu.memory_space<vmem_shared>> -> memref<1x48xf32, #tpu.memory_space<vmem_shared>>
      %dma_wait3A_136 = tpu.memref_squeeze %dma_wait3A_135 : memref<1x48xf32, #tpu.memory_space<vmem_shared>> -> memref<48xf32, #tpu.memory_space<vmem_shared>>
      %dma_wait3A_137 = arith.constant 0 : i32
      %dma_wait3A_138 = tpu.memref_slice %arg21[%arg1, %dma_wait3A_137] : memref<16x48xf32, #tpu.memory_space<vmem_shared>> -> memref<1x48xf32, #tpu.memory_space<vmem_shared>>
      %dma_wait3A_139 = tpu.memref_squeeze %dma_wait3A_138 : memref<1x48xf32, #tpu.memory_space<vmem_shared>> -> memref<48xf32, #tpu.memory_space<vmem_shared>>
      tpu.wait_dma2 semaphore(%run_scoped3A : memref<!tpu.dma_semaphore, #tpu.memory_space<semaphore_mem>>) src(%arg16 : memref<48xf32, #tpu.memory_space<vmem>>) dst(%dma_wait3A_139 : memref<48xf32, #tpu.memory_space<vmem_shared>>)
      tpu.yield
    }) : () -> ()
    %barrier3A = arith.constant 0 : index
    tpu.barrier barrier_id(%barrier3A)
    %eq3A_123 = arith.constant 0 : i32
    %eq3A_124 = arith.cmpi eq, %arg1, %eq3A_123 : i32
    %convert_element_type3A_125 = arith.extui %eq3A_124 : i1 to i32
    %cond3A_126 = arith.constant 0 : i32
    %cond3A_127 = arith.cmpi ne, %convert_element_type3A_125, %cond3A_126 : i32
    scf.if %cond3A_127 {
      tpu.wait_dma2 semaphore(%arg20 : memref<!tpu.dma_semaphore, #tpu.memory_space<semaphore_mem>>) src(%arg2 : memref<384xf32, #tpu.memory_space<hbm>>) dst(%arg12 : memref<384xf32, #tpu.memory_space<vmem>>)
      %dma_wait3A_128 = arith.constant 0 : i32
      %dma_wait3A_129 = tpu.memref_slice %arg11[%dma_wait3A_128] : memref<40xf32, #tpu.memory_space<vmem>> -> memref<24xf32, #tpu.memory_space<vmem>>
      %dma_wait3A_130 = arith.constant 0 : i32
      %dma_wait3A_131 = tpu.memref_slice %arg11[%dma_wait3A_130] : memref<40xf32, #tpu.memory_space<vmem>> -> memref<24xf32, #tpu.memory_space<vmem>>
      tpu.wait_dma2 semaphore(%arg20 : memref<!tpu.dma_semaphore, #tpu.memory_space<semaphore_mem>>) src(%arg3 : memref<24xf32, #tpu.memory_space<hbm>>) dst(%dma_wait3A_131 : memref<24xf32, #tpu.memory_space<vmem>>)
      %dma_wait3A_132 = arith.constant 0 : i32
      %dma_wait3A_133 = tpu.memref_slice %arg14[%dma_wait3A_132] : memref<16xi32, #tpu.memory_space<vmem>> -> memref<1xi32, #tpu.memory_space<vmem>>
      %dma_wait3A_134 = arith.constant 0 : i32
      %dma_wait3A_135 = tpu.memref_slice %arg14[%dma_wait3A_134] : memref<16xi32, #tpu.memory_space<vmem>> -> memref<1xi32, #tpu.memory_space<vmem>>
      tpu.wait_dma2 semaphore(%arg20 : memref<!tpu.dma_semaphore, #tpu.memory_space<semaphore_mem>>) src(%arg8 : memref<1xi32, #tpu.memory_space<hbm>>) dst(%dma_wait3A_135 : memref<1xi32, #tpu.memory_space<vmem>>)
      "tpu.region"() ({
        %run_scoped3A = tpu.sem_alloc : memref<!tpu.dma_semaphore, #tpu.memory_space<semaphore_mem>>
        tpu.enqueue_dma source(%arg21 : memref<16x48xf32, #tpu.memory_space<vmem_shared>>) target(%arg17 : memref<16x48xf32, #tpu.memory_space<vmem>>) target_semaphore(%run_scoped3A : memref<!tpu.dma_semaphore, #tpu.memory_space<semaphore_mem>>)
        tpu.wait_dma2 semaphore(%run_scoped3A : memref<!tpu.dma_semaphore, #tpu.memory_space<semaphore_mem>>) src(%arg21 : memref<16x48xf32, #tpu.memory_space<vmem_shared>>) dst(%arg17 : memref<16x48xf32, #tpu.memory_space<vmem>>)
        tpu.yield
      }) : () -> ()
      %broadcast_in_dim3A_136 = arith.constant 0.000000e+00 : f32
      %broadcast_in_dim3A_137 = vector.broadcast %broadcast_in_dim3A_136 : f32 to vector<16xf32>
      %broadcast_in_dim3A_138 = arith.constant 0.000000e+00 : f32
      %broadcast_in_dim3A_139 = vector.broadcast %broadcast_in_dim3A_138 : f32 to vector<16xf32>
      %broadcast_in_dim3A_140 = arith.constant 0.000000e+00 : f32
      %broadcast_in_dim3A_141 = vector.broadcast %broadcast_in_dim3A_140 : f32 to vector<16xf32>
      %get3A = arith.constant 0 : i32
      %get3A_142 = arith.index_cast %get3A : i32 to index
      %get3A_143 = arith.constant 0 : index
      %get3A_144 = tpu.vector_load %arg17[%get3A_142, %get3A_143] {strides = array<i32>} : memref<16x48xf32, #tpu.memory_space<vmem>>, vector<16xf32>,
      %add3A_145 = arith.addf %broadcast_in_dim3A_137, %get3A_144 : vector<16xf32>
      %get3A_146 = arith.constant 0 : i32
      %get3A_147 = arith.index_cast %get3A_146 : i32 to index
      %get3A_148 = arith.constant 16 : index
      %get3A_149 = tpu.vector_load %arg17[%get3A_147, %get3A_148] {strides = array<i32>} : memref<16x48xf32, #tpu.memory_space<vmem>>, vector<16xf32>,
      %add3A_150 = arith.addf %broadcast_in_dim3A_139, %get3A_149 : vector<16xf32>
      %get3A_151 = arith.constant 0 : i32
      %get3A_152 = arith.index_cast %get3A_151 : i32 to index
      %get3A_153 = arith.constant 32 : index
      %get3A_154 = tpu.vector_load %arg17[%get3A_152, %get3A_153] {strides = array<i32>} : memref<16x48xf32, #tpu.memory_space<vmem>>, vector<16xf32>,
      %add3A_155 = arith.addf %broadcast_in_dim3A_141, %get3A_154 : vector<16xf32>
      %get3A_156 = arith.constant 1 : i32
      %get3A_157 = arith.index_cast %get3A_156 : i32 to index
      %get3A_158 = arith.constant 0 : index
      %get3A_159 = tpu.vector_load %arg17[%get3A_157, %get3A_158] {strides = array<i32>} : memref<16x48xf32, #tpu.memory_space<vmem>>, vector<16xf32>,
      %add3A_160 = arith.addf %add3A_145, %get3A_159 : vector<16xf32>
      %get3A_161 = arith.constant 1 : i32
      %get3A_162 = arith.index_cast %get3A_161 : i32 to index
      %get3A_163 = arith.constant 16 : index
      %get3A_164 = tpu.vector_load %arg17[%get3A_162, %get3A_163] {strides = array<i32>} : memref<16x48xf32, #tpu.memory_space<vmem>>, vector<16xf32>,
      %add3A_165 = arith.addf %add3A_150, %get3A_164 : vector<16xf32>
      %get3A_166 = arith.constant 1 : i32
      %get3A_167 = arith.index_cast %get3A_166 : i32 to index
      %get3A_168 = arith.constant 32 : index
      %get3A_169 = tpu.vector_load %arg17[%get3A_167, %get3A_168] {strides = array<i32>} : memref<16x48xf32, #tpu.memory_space<vmem>>, vector<16xf32>,
      %add3A_170 = arith.addf %add3A_155, %get3A_169 : vector<16xf32>
      %get3A_171 = arith.constant 2 : i32
      %get3A_172 = arith.index_cast %get3A_171 : i32 to index
      %get3A_173 = arith.constant 0 : index
      %get3A_174 = tpu.vector_load %arg17[%get3A_172, %get3A_173] {strides = array<i32>} : memref<16x48xf32, #tpu.memory_space<vmem>>, vector<16xf32>,
      %add3A_175 = arith.addf %add3A_160, %get3A_174 : vector<16xf32>
      %get3A_176 = arith.constant 2 : i32
      %get3A_177 = arith.index_cast %get3A_176 : i32 to index
      %get3A_178 = arith.constant 16 : index
      %get3A_179 = tpu.vector_load %arg17[%get3A_177, %get3A_178] {strides = array<i32>} : memref<16x48xf32, #tpu.memory_space<vmem>>, vector<16xf32>,
      %add3A_180 = arith.addf %add3A_165, %get3A_179 : vector<16xf32>
      %get3A_181 = arith.constant 2 : i32
      %get3A_182 = arith.index_cast %get3A_181 : i32 to index
      %get3A_183 = arith.constant 32 : index
      %get3A_184 = tpu.vector_load %arg17[%get3A_182, %get3A_183] {strides = array<i32>} : memref<16x48xf32, #tpu.memory_space<vmem>>, vector<16xf32>,
      %add3A_185 = arith.addf %add3A_170, %get3A_184 : vector<16xf32>
      %get3A_186 = arith.constant 3 : i32
      %get3A_187 = arith.index_cast %get3A_186 : i32 to index
      %get3A_188 = arith.constant 0 : index
      %get3A_189 = tpu.vector_load %arg17[%get3A_187, %get3A_188] {strides = array<i32>} : memref<16x48xf32, #tpu.memory_space<vmem>>, vector<16xf32>,
      %add3A_190 = arith.addf %add3A_175, %get3A_189 : vector<16xf32>
      %get3A_191 = arith.constant 3 : i32
      %get3A_192 = arith.index_cast %get3A_191 : i32 to index
      %get3A_193 = arith.constant 16 : index
      %get3A_194 = tpu.vector_load %arg17[%get3A_192, %get3A_193] {strides = array<i32>} : memref<16x48xf32, #tpu.memory_space<vmem>>, vector<16xf32>,
      %add3A_195 = arith.addf %add3A_180, %get3A_194 : vector<16xf32>
      %get3A_196 = arith.constant 3 : i32
      %get3A_197 = arith.index_cast %get3A_196 : i32 to index
      %get3A_198 = arith.constant 32 : index
      %get3A_199 = tpu.vector_load %arg17[%get3A_197, %get3A_198] {strides = array<i32>} : memref<16x48xf32, #tpu.memory_space<vmem>>, vector<16xf32>,
      %add3A_200 = arith.addf %add3A_185, %get3A_199 : vector<16xf32>
      %get3A_201 = arith.constant 4 : i32
      %get3A_202 = arith.index_cast %get3A_201 : i32 to index
      %get3A_203 = arith.constant 0 : index
      %get3A_204 = tpu.vector_load %arg17[%get3A_202, %get3A_203] {strides = array<i32>} : memref<16x48xf32, #tpu.memory_space<vmem>>, vector<16xf32>,
      %add3A_205 = arith.addf %add3A_190, %get3A_204 : vector<16xf32>
      %get3A_206 = arith.constant 4 : i32
      %get3A_207 = arith.index_cast %get3A_206 : i32 to index
      %get3A_208 = arith.constant 16 : index
      %get3A_209 = tpu.vector_load %arg17[%get3A_207, %get3A_208] {strides = array<i32>} : memref<16x48xf32, #tpu.memory_space<vmem>>, vector<16xf32>,
      %add3A_210 = arith.addf %add3A_195, %get3A_209 : vector<16xf32>
      %get3A_211 = arith.constant 4 : i32
      %get3A_212 = arith.index_cast %get3A_211 : i32 to index
      %get3A_213 = arith.constant 32 : index
      %get3A_214 = tpu.vector_load %arg17[%get3A_212, %get3A_213] {strides = array<i32>} : memref<16x48xf32, #tpu.memory_space<vmem>>, vector<16xf32>,
      %add3A_215 = arith.addf %add3A_200, %get3A_214 : vector<16xf32>
      %get3A_216 = arith.constant 5 : i32
      %get3A_217 = arith.index_cast %get3A_216 : i32 to index
      %get3A_218 = arith.constant 0 : index
      %get3A_219 = tpu.vector_load %arg17[%get3A_217, %get3A_218] {strides = array<i32>} : memref<16x48xf32, #tpu.memory_space<vmem>>, vector<16xf32>,
      %add3A_220 = arith.addf %add3A_205, %get3A_219 : vector<16xf32>
      %get3A_221 = arith.constant 5 : i32
      %get3A_222 = arith.index_cast %get3A_221 : i32 to index
      %get3A_223 = arith.constant 16 : index
      %get3A_224 = tpu.vector_load %arg17[%get3A_222, %get3A_223] {strides = array<i32>} : memref<16x48xf32, #tpu.memory_space<vmem>>, vector<16xf32>,
      %add3A_225 = arith.addf %add3A_210, %get3A_224 : vector<16xf32>
      %get3A_226 = arith.constant 5 : i32
      %get3A_227 = arith.index_cast %get3A_226 : i32 to index
      %get3A_228 = arith.constant 32 : index
      %get3A_229 = tpu.vector_load %arg17[%get3A_227, %get3A_228] {strides = array<i32>} : memref<16x48xf32, #tpu.memory_space<vmem>>, vector<16xf32>,
      %add3A_230 = arith.addf %add3A_215, %get3A_229 : vector<16xf32>
      %get3A_231 = arith.constant 6 : i32
      %get3A_232 = arith.index_cast %get3A_231 : i32 to index
      %get3A_233 = arith.constant 0 : index
      %get3A_234 = tpu.vector_load %arg17[%get3A_232, %get3A_233] {strides = array<i32>} : memref<16x48xf32, #tpu.memory_space<vmem>>, vector<16xf32>,
      %add3A_235 = arith.addf %add3A_220, %get3A_234 : vector<16xf32>
      %get3A_236 = arith.constant 6 : i32
      %get3A_237 = arith.index_cast %get3A_236 : i32 to index
      %get3A_238 = arith.constant 16 : index
      %get3A_239 = tpu.vector_load %arg17[%get3A_237, %get3A_238] {strides = array<i32>} : memref<16x48xf32, #tpu.memory_space<vmem>>, vector<16xf32>,
      %add3A_240 = arith.addf %add3A_225, %get3A_239 : vector<16xf32>
      %get3A_241 = arith.constant 6 : i32
      %get3A_242 = arith.index_cast %get3A_241 : i32 to index
      %get3A_243 = arith.constant 32 : index
      %get3A_244 = tpu.vector_load %arg17[%get3A_242, %get3A_243] {strides = array<i32>} : memref<16x48xf32, #tpu.memory_space<vmem>>, vector<16xf32>,
      %add3A_245 = arith.addf %add3A_230, %get3A_244 : vector<16xf32>
      %get3A_246 = arith.constant 7 : i32
      %get3A_247 = arith.index_cast %get3A_246 : i32 to index
      %get3A_248 = arith.constant 0 : index
      %get3A_249 = tpu.vector_load %arg17[%get3A_247, %get3A_248] {strides = array<i32>} : memref<16x48xf32, #tpu.memory_space<vmem>>, vector<16xf32>,
      %add3A_250 = arith.addf %add3A_235, %get3A_249 : vector<16xf32>
      %get3A_251 = arith.constant 7 : i32
      %get3A_252 = arith.index_cast %get3A_251 : i32 to index
      %get3A_253 = arith.constant 16 : index
      %get3A_254 = tpu.vector_load %arg17[%get3A_252, %get3A_253] {strides = array<i32>} : memref<16x48xf32, #tpu.memory_space<vmem>>, vector<16xf32>,
      %add3A_255 = arith.addf %add3A_240, %get3A_254 : vector<16xf32>
      %get3A_256 = arith.constant 7 : i32
      %get3A_257 = arith.index_cast %get3A_256 : i32 to index
      %get3A_258 = arith.constant 32 : index
      %get3A_259 = tpu.vector_load %arg17[%get3A_257, %get3A_258] {strides = array<i32>} : memref<16x48xf32, #tpu.memory_space<vmem>>, vector<16xf32>,
      %add3A_260 = arith.addf %add3A_245, %get3A_259 : vector<16xf32>
      %get3A_261 = arith.constant 8 : i32
      %get3A_262 = arith.index_cast %get3A_261 : i32 to index
      %get3A_263 = arith.constant 0 : index
      %get3A_264 = tpu.vector_load %arg17[%get3A_262, %get3A_263] {strides = array<i32>} : memref<16x48xf32, #tpu.memory_space<vmem>>, vector<16xf32>,
      %add3A_265 = arith.addf %add3A_250, %get3A_264 : vector<16xf32>
      %get3A_266 = arith.constant 8 : i32
      %get3A_267 = arith.index_cast %get3A_266 : i32 to index
      %get3A_268 = arith.constant 16 : index
      %get3A_269 = tpu.vector_load %arg17[%get3A_267, %get3A_268] {strides = array<i32>} : memref<16x48xf32, #tpu.memory_space<vmem>>, vector<16xf32>,
      %add3A_270 = arith.addf %add3A_255, %get3A_269 : vector<16xf32>
      %get3A_271 = arith.constant 8 : i32
      %get3A_272 = arith.index_cast %get3A_271 : i32 to index
      %get3A_273 = arith.constant 32 : index
      %get3A_274 = tpu.vector_load %arg17[%get3A_272, %get3A_273] {strides = array<i32>} : memref<16x48xf32, #tpu.memory_space<vmem>>, vector<16xf32>,
      %add3A_275 = arith.addf %add3A_260, %get3A_274 : vector<16xf32>
      %get3A_276 = arith.constant 9 : i32
      %get3A_277 = arith.index_cast %get3A_276 : i32 to index
      %get3A_278 = arith.constant 0 : index
      %get3A_279 = tpu.vector_load %arg17[%get3A_277, %get3A_278] {strides = array<i32>} : memref<16x48xf32, #tpu.memory_space<vmem>>, vector<16xf32>,
      %add3A_280 = arith.addf %add3A_265, %get3A_279 : vector<16xf32>
      %get3A_281 = arith.constant 9 : i32
      %get3A_282 = arith.index_cast %get3A_281 : i32 to index
      %get3A_283 = arith.constant 16 : index
      %get3A_284 = tpu.vector_load %arg17[%get3A_282, %get3A_283] {strides = array<i32>} : memref<16x48xf32, #tpu.memory_space<vmem>>, vector<16xf32>,
      %add3A_285 = arith.addf %add3A_270, %get3A_284 : vector<16xf32>
      %get3A_286 = arith.constant 9 : i32
      %get3A_287 = arith.index_cast %get3A_286 : i32 to index
      %get3A_288 = arith.constant 32 : index
      %get3A_289 = tpu.vector_load %arg17[%get3A_287, %get3A_288] {strides = array<i32>} : memref<16x48xf32, #tpu.memory_space<vmem>>, vector<16xf32>,
      %add3A_290 = arith.addf %add3A_275, %get3A_289 : vector<16xf32>
      %get3A_291 = arith.constant 10 : i32
      %get3A_292 = arith.index_cast %get3A_291 : i32 to index
      %get3A_293 = arith.constant 0 : index
      %get3A_294 = tpu.vector_load %arg17[%get3A_292, %get3A_293] {strides = array<i32>} : memref<16x48xf32, #tpu.memory_space<vmem>>, vector<16xf32>,
      %add3A_295 = arith.addf %add3A_280, %get3A_294 : vector<16xf32>
      %get3A_296 = arith.constant 10 : i32
      %get3A_297 = arith.index_cast %get3A_296 : i32 to index
      %get3A_298 = arith.constant 16 : index
      %get3A_299 = tpu.vector_load %arg17[%get3A_297, %get3A_298] {strides = array<i32>} : memref<16x48xf32, #tpu.memory_space<vmem>>, vector<16xf32>,
      %add3A_300 = arith.addf %add3A_285, %get3A_299 : vector<16xf32>
      %get3A_301 = arith.constant 10 : i32
      %get3A_302 = arith.index_cast %get3A_301 : i32 to index
      %get3A_303 = arith.constant 32 : index
      %get3A_304 = tpu.vector_load %arg17[%get3A_302, %get3A_303] {strides = array<i32>} : memref<16x48xf32, #tpu.memory_space<vmem>>, vector<16xf32>,
      %add3A_305 = arith.addf %add3A_290, %get3A_304 : vector<16xf32>
      %get3A_306 = arith.constant 11 : i32
      %get3A_307 = arith.index_cast %get3A_306 : i32 to index
      %get3A_308 = arith.constant 0 : index
      %get3A_309 = tpu.vector_load %arg17[%get3A_307, %get3A_308] {strides = array<i32>} : memref<16x48xf32, #tpu.memory_space<vmem>>, vector<16xf32>,
      %add3A_310 = arith.addf %add3A_295, %get3A_309 : vector<16xf32>
      %get3A_311 = arith.constant 11 : i32
      %get3A_312 = arith.index_cast %get3A_311 : i32 to index
      %get3A_313 = arith.constant 16 : index
      %get3A_314 = tpu.vector_load %arg17[%get3A_312, %get3A_313] {strides = array<i32>} : memref<16x48xf32, #tpu.memory_space<vmem>>, vector<16xf32>,
      %add3A_315 = arith.addf %add3A_300, %get3A_314 : vector<16xf32>
      %get3A_316 = arith.constant 11 : i32
      %get3A_317 = arith.index_cast %get3A_316 : i32 to index
      %get3A_318 = arith.constant 32 : index
      %get3A_319 = tpu.vector_load %arg17[%get3A_317, %get3A_318] {strides = array<i32>} : memref<16x48xf32, #tpu.memory_space<vmem>>, vector<16xf32>,
      %add3A_320 = arith.addf %add3A_305, %get3A_319 : vector<16xf32>
      %get3A_321 = arith.constant 12 : i32
      %get3A_322 = arith.index_cast %get3A_321 : i32 to index
      %get3A_323 = arith.constant 0 : index
      %get3A_324 = tpu.vector_load %arg17[%get3A_322, %get3A_323] {strides = array<i32>} : memref<16x48xf32, #tpu.memory_space<vmem>>, vector<16xf32>,
      %add3A_325 = arith.addf %add3A_310, %get3A_324 : vector<16xf32>
      %get3A_326 = arith.constant 12 : i32
      %get3A_327 = arith.index_cast %get3A_326 : i32 to index
      %get3A_328 = arith.constant 16 : index
      %get3A_329 = tpu.vector_load %arg17[%get3A_327, %get3A_328] {strides = array<i32>} : memref<16x48xf32, #tpu.memory_space<vmem>>, vector<16xf32>,
      %add3A_330 = arith.addf %add3A_315, %get3A_329 : vector<16xf32>
      %get3A_331 = arith.constant 12 : i32
      %get3A_332 = arith.index_cast %get3A_331 : i32 to index
      %get3A_333 = arith.constant 32 : index
      %get3A_334 = tpu.vector_load %arg17[%get3A_332, %get3A_333] {strides = array<i32>} : memref<16x48xf32, #tpu.memory_space<vmem>>, vector<16xf32>,
      %add3A_335 = arith.addf %add3A_320, %get3A_334 : vector<16xf32>
      %get3A_336 = arith.constant 13 : i32
      %get3A_337 = arith.index_cast %get3A_336 : i32 to index
      %get3A_338 = arith.constant 0 : index
      %get3A_339 = tpu.vector_load %arg17[%get3A_337, %get3A_338] {strides = array<i32>} : memref<16x48xf32, #tpu.memory_space<vmem>>, vector<16xf32>,
      %add3A_340 = arith.addf %add3A_325, %get3A_339 : vector<16xf32>
      %get3A_341 = arith.constant 13 : i32
      %get3A_342 = arith.index_cast %get3A_341 : i32 to index
      %get3A_343 = arith.constant 16 : index
      %get3A_344 = tpu.vector_load %arg17[%get3A_342, %get3A_343] {strides = array<i32>} : memref<16x48xf32, #tpu.memory_space<vmem>>, vector<16xf32>,
      %add3A_345 = arith.addf %add3A_330, %get3A_344 : vector<16xf32>
      %get3A_346 = arith.constant 13 : i32
      %get3A_347 = arith.index_cast %get3A_346 : i32 to index
      %get3A_348 = arith.constant 32 : index
      %get3A_349 = tpu.vector_load %arg17[%get3A_347, %get3A_348] {strides = array<i32>} : memref<16x48xf32, #tpu.memory_space<vmem>>, vector<16xf32>,
      %add3A_350 = arith.addf %add3A_335, %get3A_349 : vector<16xf32>
      %get3A_351 = arith.constant 14 : i32
      %get3A_352 = arith.index_cast %get3A_351 : i32 to index
      %get3A_353 = arith.constant 0 : index
      %get3A_354 = tpu.vector_load %arg17[%get3A_352, %get3A_353] {strides = array<i32>} : memref<16x48xf32, #tpu.memory_space<vmem>>, vector<16xf32>,
      %add3A_355 = arith.addf %add3A_340, %get3A_354 : vector<16xf32>
      %get3A_356 = arith.constant 14 : i32
      %get3A_357 = arith.index_cast %get3A_356 : i32 to index
      %get3A_358 = arith.constant 16 : index
      %get3A_359 = tpu.vector_load %arg17[%get3A_357, %get3A_358] {strides = array<i32>} : memref<16x48xf32, #tpu.memory_space<vmem>>, vector<16xf32>,
      %add3A_360 = arith.addf %add3A_345, %get3A_359 : vector<16xf32>
      %get3A_361 = arith.constant 14 : i32
      %get3A_362 = arith.index_cast %get3A_361 : i32 to index
      %get3A_363 = arith.constant 32 : index
      %get3A_364 = tpu.vector_load %arg17[%get3A_362, %get3A_363] {strides = array<i32>} : memref<16x48xf32, #tpu.memory_space<vmem>>, vector<16xf32>,
      %add3A_365 = arith.addf %add3A_350, %get3A_364 : vector<16xf32>
      %get3A_366 = arith.constant 15 : i32
      %get3A_367 = arith.index_cast %get3A_366 : i32 to index
      %get3A_368 = arith.constant 0 : index
      %get3A_369 = tpu.vector_load %arg17[%get3A_367, %get3A_368] {strides = array<i32>} : memref<16x48xf32, #tpu.memory_space<vmem>>, vector<16xf32>,
      %add3A_370 = arith.addf %add3A_355, %get3A_369 : vector<16xf32>
      %get3A_371 = arith.constant 15 : i32
      %get3A_372 = arith.index_cast %get3A_371 : i32 to index
      %get3A_373 = arith.constant 16 : index
      %get3A_374 = tpu.vector_load %arg17[%get3A_372, %get3A_373] {strides = array<i32>} : memref<16x48xf32, #tpu.memory_space<vmem>>, vector<16xf32>,
      %add3A_375 = arith.addf %add3A_360, %get3A_374 : vector<16xf32>
      %get3A_376 = arith.constant 15 : i32
      %get3A_377 = arith.index_cast %get3A_376 : i32 to index
      %get3A_378 = arith.constant 32 : index
      %get3A_379 = tpu.vector_load %arg17[%get3A_377, %get3A_378] {strides = array<i32>} : memref<16x48xf32, #tpu.memory_space<vmem>>, vector<16xf32>,
      %add3A_380 = arith.addf %add3A_365, %get3A_379 : vector<16xf32>
      %get3A_381 = arith.constant 0 : index
      %get3A_382 = tpu.vector_load %arg14[%get3A_381] {strides = array<i32>} : memref<16xi32, #tpu.memory_space<vmem>>, vector<16xi32>,
      %slice3A = vector.extract_strided_slice %get3A_382 {offsets = [0], sizes = [1], strides = [1]} : vector<16xi32> to vector<1xi32>
      %squeeze3A = vector.extract %slice3A[0] : i32 from vector<1xi32>
      %jit3A = arith.constant 0 : i32
      %jit3A_383 = arith.constant 23 : i32
      %max3A = arith.maxsi %jit3A, %squeeze3A : i32
      %min3A = arith.minsi %jit3A_383, %max3A : i32
      %get3A_384 = arith.index_cast %min3A : i32 to index
      %get3A_385 = tpu.vector_load %arg11[%get3A_384] {strides = array<i32>} : memref<40xf32, #tpu.memory_space<vmem>>, vector<16xf32>,
      %slice3A_386 = vector.extract_strided_slice %get3A_385 {offsets = [0], sizes = [1], strides = [1]} : vector<16xf32> to vector<1xf32>
      %squeeze3A_387 = vector.extract %slice3A_386[0] : f32 from vector<1xf32>
      %reduce_sum3A = arith.constant true
      %reduce_sum3A_388 = vector.broadcast %reduce_sum3A : i1 to vector<16xi1>
      %reduce_sum3A_389 = tpu.scan <sum>, %add3A_380 masked %reduce_sum3A_388 : vector<16xf32>, vector<16xi1> -> vector<16xf32>
      %reduce_sum3A_390 = vector.extract %reduce_sum3A_389[15] : f32 from vector<16xf32>
      %mul3A_391 = arith.constant 9.900000e-01 : f32
      %mul3A_392 = arith.mulf %mul3A_391, %squeeze3A_387 : f32
      %mul3A_393 = arith.constant 6.10351563E-5 : f32
      %mul3A_394 = arith.mulf %reduce_sum3A_390, %mul3A_393 : f32
      %mul3A_395 = arith.constant 0.00999999977 : f32
      %mul3A_396 = arith.mulf %mul3A_395, %mul3A_394 : f32
      %add3A_397 = arith.addf %mul3A_392, %mul3A_396 : f32
      %mul3A_398 = arith.constant 16 : i32
      %mul3A_399 = arith.muli %min3A, %mul3A_398 : i32
      %get3A_400 = arith.index_cast %mul3A_399 : i32 to index
      %get3A_401 = tpu.vector_load %arg12[%get3A_400] {strides = array<i32>} : memref<384xf32, #tpu.memory_space<vmem>>, vector<16xf32>,
      %mul3A_402 = vector.broadcast %add3A_397 : f32 to vector<16xf32>
      %mul3A_403 = arith.mulf %mul3A_402, %add3A_370 : vector<16xf32>
      %add3A_404 = arith.addf %get3A_401, %mul3A_403 : vector<16xf32>
      %sub3A = arith.subf %add3A_404, %add3A_375 : vector<16xf32>
      %reduce_sum3A_405 = arith.constant true
      %reduce_sum3A_406 = vector.broadcast %reduce_sum3A_405 : i1 to vector<16xi1>
      %reduce_sum3A_407 = tpu.scan <sum>, %sub3A masked %reduce_sum3A_406 : vector<16xf32>, vector<16xi1> -> vector<16xf32>
      %reduce_sum3A_408 = vector.extract %reduce_sum3A_407[15] : f32 from vector<16xf32>
      %mul3A_409 = arith.constant 6.250000e-02 : f32
      %mul3A_410 = arith.mulf %reduce_sum3A_408, %mul3A_409 : f32
      %mul3A_411 = arith.constant 1.500000e+00 : f32
      %mul3A_412 = arith.mulf %mul3A_410, %mul3A_411 : f32
      %gt3A = vector.broadcast %mul3A_412 : f32 to vector<16xf32>
      %gt3A_413 = arith.cmpf ogt, %sub3A, %gt3A : vector<16xf32>
      %sub3A_414 = vector.broadcast %mul3A_412 : f32 to vector<16xf32>
      %sub3A_415 = arith.subf %sub3A, %sub3A_414 : vector<16xf32>
      %mul3A_416 = arith.constant 1.500000e-01 : f32
      %mul3A_417 = vector.broadcast %mul3A_416 : f32 to vector<16xf32>
      %mul3A_418 = arith.mulf %sub3A_415, %mul3A_417 : vector<16xf32>
      %sub3A_419 = arith.subf %sub3A, %mul3A_418 : vector<16xf32>
      %select_n3A = arith.select %gt3A_413, %sub3A_419, %sub3A : vector<16xi1>, vector<16xf32>
      %max3A_420 = arith.constant 3.125000e+01 : f32
      %max3A_421 = vector.broadcast %max3A_420 : f32 to vector<16xf32>
      %max3A_422 = arith.maximumf %select_n3A, %max3A_421 : vector<16xf32>
      %reduce_sum3A_423 = arith.constant true
      %reduce_sum3A_424 = vector.broadcast %reduce_sum3A_423 : i1 to vector<16xi1>
      %reduce_sum3A_425 = tpu.scan <sum>, %max3A_422 masked %reduce_sum3A_424 : vector<16xf32>, vector<16xi1> -> vector<16xf32>
      %reduce_sum3A_426 = vector.extract %reduce_sum3A_425[15] : f32 from vector<16xf32>
      %gt3A_427 = arith.constant 1.500000e+04 : f32
      %gt3A_428 = arith.cmpf ogt, %reduce_sum3A_426, %gt3A_427 : f32
      %mul3A_429 = arith.constant 0.949999988 : f32
      %mul3A_430 = vector.broadcast %mul3A_429 : f32 to vector<16xf32>
      %mul3A_431 = arith.mulf %max3A_422, %mul3A_430 : vector<16xf32>
      %lt3A = arith.constant 5.000000e+03 : f32
      %lt3A_432 = arith.cmpf olt, %reduce_sum3A_426, %lt3A : f32
      %add3A_433 = arith.constant 1.000000e+02 : f32
      %add3A_434 = vector.broadcast %add3A_433 : f32 to vector<16xf32>
      %add3A_435 = arith.addf %max3A_422, %add3A_434 : vector<16xf32>
      %select_n3A_436 = arith.select %lt3A_432, %add3A_435, %max3A_422 : vector<16xf32>
      %select_n3A_437 = arith.select %gt3A_428, %mul3A_431, %select_n3A_436 : vector<16xf32>
      %mul3A_438 = arith.constant 16 : i32
      %mul3A_439 = arith.muli %min3A, %mul3A_438 : i32
      %swap3A_440 = arith.index_cast %mul3A_439 : i32 to index
      %swap3A_441 = tpu.vector_load %arg12[%swap3A_440] {strides = array<i32>} : memref<384xf32, #tpu.memory_space<vmem>>, vector<16xf32>,
      tpu.vector_store %arg12[%swap3A_440], %select_n3A_437 {strides = array<i32>} : memref<384xf32, #tpu.memory_space<vmem>>, vector<16xf32>,
      %iota3A = tpu.iota {dimensions = array<i32: 0>} : vector<16xi32>
      %eq3A_442 = arith.constant 0 : i32
      %eq3A_443 = vector.broadcast %eq3A_442 : i32 to vector<16xi32>
      %eq3A_444 = arith.cmpi eq, %iota3A, %eq3A_443 : vector<16xi32>
      %broadcast_in_dim3A_445 = vector.broadcast %add3A_397 : f32 to vector<16xf32>
      %select_n3A_446 = arith.select %eq3A_444, %broadcast_in_dim3A_445, %get3A_385 : vector<16xi1>, vector<16xf32>
      %swap3A_447 = arith.index_cast %min3A : i32 to index
      %swap3A_448 = tpu.vector_load %arg11[%swap3A_447] {strides = array<i32>} : memref<40xf32, #tpu.memory_space<vmem>>, vector<16xf32>,
      tpu.vector_store %arg11[%swap3A_447], %select_n3A_446 {strides = array<i32>} : memref<40xf32, #tpu.memory_space<vmem>>, vector<16xf32>,
      tpu.enqueue_dma source(%arg12 : memref<384xf32, #tpu.memory_space<vmem>>) target(%arg9 : memref<384xf32, #tpu.memory_space<hbm>>) target_semaphore(%arg18 : memref<!tpu.dma_semaphore, #tpu.memory_space<semaphore_mem>>)
      %dma_start3A_449 = arith.constant 0 : i32
      %dma_start3A_450 = tpu.memref_slice %arg11[%dma_start3A_449] : memref<40xf32, #tpu.memory_space<vmem>> -> memref<24xf32, #tpu.memory_space<vmem>>
      %dma_start3A_451 = arith.constant 0 : i32
      %dma_start3A_452 = tpu.memref_slice %arg11[%dma_start3A_451] : memref<40xf32, #tpu.memory_space<vmem>> -> memref<24xf32, #tpu.memory_space<vmem>>
      tpu.enqueue_dma source(%dma_start3A_452 : memref<24xf32, #tpu.memory_space<vmem>>) target(%arg10 : memref<24xf32, #tpu.memory_space<hbm>>) target_semaphore(%arg18 : memref<!tpu.dma_semaphore, #tpu.memory_space<semaphore_mem>>)
      tpu.wait_dma2 semaphore(%arg18 : memref<!tpu.dma_semaphore, #tpu.memory_space<semaphore_mem>>) src(%arg12 : memref<384xf32, #tpu.memory_space<vmem>>) dst(%arg9 : memref<384xf32, #tpu.memory_space<hbm>>)
      %dma_wait3A_453 = arith.constant 0 : i32
      %dma_wait3A_454 = tpu.memref_slice %arg11[%dma_wait3A_453] : memref<40xf32, #tpu.memory_space<vmem>> -> memref<24xf32, #tpu.memory_space<vmem>>
      %dma_wait3A_455 = arith.constant 0 : i32
      %dma_wait3A_456 = tpu.memref_slice %arg11[%dma_wait3A_455] : memref<40xf32, #tpu.memory_space<vmem>> -> memref<24xf32, #tpu.memory_space<vmem>>
      tpu.wait_dma2 semaphore(%arg18 : memref<!tpu.dma_semaphore, #tpu.memory_space<semaphore_mem>>) src(%dma_wait3A_456 : memref<24xf32, #tpu.memory_space<vmem>>) dst(%arg10 : memref<24xf32, #tpu.memory_space<hbm>>)
    } else {
    }
    return
  }
}

</mosaic_0001>

<sc_bundles>
// kernel: kernel.3.cloned.1.call-start
scs
__scs_entry_jumppad:
0x0: {  	(pc) =	sbr.rel $0x88, $3  }
0x1: {  	(tag) =	ssettag $0x0;
	lr =	simm.s32 $0x1  }
0x2: {  	[smem:$0x3F9A] =	sst lr;
	_ =	strace $0xD0000000  }
0x3: {  	_ = 	snop  }
0x4: {  	_ = 	snop  }
0x5: {  	_ = 	snop  }
0x6: {  	_ = 	snop  }
0x7: {  	_ = 	snop  }
__scs_overlays_trampoline_lowered:
0x8: {  	[smem:$0x3FA9] =	sst s0  }
0x9: {  	[smem:$0x3FAA] =	sst s1  }
0xa: {  	[smem:$0x3FAB] =	sst s2  }
0xb: {  	[smem:$0x3FAC] =	sst s3  }
0xc: {  	[smem:$0x3FAD] =	sst s4  }
0xd: {  	[smem:$0x3FAE] =	sst s5  }
0xe: {  	[smem:$0x3FAF] =	sst s6  }
0xf: {  	[smem:$0x3FB0] =	sst s7  }
0x10: {  	[smem:$0x3FB1] =	sst s8  }
0x11: {  	[smem:$0x3FB2] =	sst s9;
	s0 =	simm.s32 @!p0 $0x0  }
0x12: {  	s1 =	sld [smem:$0x3F98];
	s0 =	simm.s32 @p0 $0x1  }
0x13: {  	[smem:$0x3FB3] =	sst s0;
	s0 =	simm.s32 @!p1 $0x0  }
0x14: {  	s2 =	sld [smem:$0x3F97];
	s0 =	simm.s32 @p1 $0x1  }
0x15: {  	[smem:$0x3FB4] =	sst s0;
	s0 =	simm.s32 @!p2 $0x0  }
0x16: {  	s3 =	sld [smem:$0x3FDB];
	s0 =	simm.s32 @p2 $0x1  }
0x17: {  	s4 =	simm.s32 $0x1BF5;
	[smem:$0x3FB6] =	sst s0  }
0x18: {  	s0 =	sld [smem:$0x3F99];
	_ =	swait.ge [sflag:s4], $0x0  }
0x19: {  	s7 =	sld [smem:$0x3F9A]  }
0x1a: {  	s8 =	sadd.s32 $0xFFFFE003, lr  }
0x1b: {  	s9 =	sadd.s32 $0xFFFFFEF7, lr;
	s5 =	simm.s32 $0xFFFFFFFF;
	p2 =	slt.u32 s8, $0xFFFFF086  }
0x1c: {  	p1 =	slt.u32 s9, $0xF7A;
	s5 =	simm.s32 @!p2 $0x0  }
0x1d: {  	s5 =	simm.s32 @p1 $0x1;
	p0 =	seq.s32 s7, s2  }
0x1e: {  	s7 =	smul.u32 @!p0 $0xF7A, s2;
	p2 =	seq.s32 @!p0 s5, $0x0  }
0x1f: {  	s9 =	smul.u32 $0xF7A, s1;
	s8 =	simm.s32 @!p0 $0x1BF5;
	p2 =	por !p2, p0  }
0x20: {  	[sflag:s8] =	ssyncset.s32 @!p0 $0xFFFFF086;
	s6 =	sadd.s32 @!p0 s3, s7;
	s7 =	simm.s32 @!p0 $0x108  }
0x21: {  	s3 =	sadd.s32 s3, s9;
	s6 =	sadd.s32 @!p0 $0x88, s6;
	s7 =	simm.s32 @p2 $0x1082  }
0x22: {  	[simem:s7], [sflag:s8] =	dma.local @!p0 [hbm:s6], $0xF7A  }
0x23: {  	s9 =	sor.u32 $0xD0000000, s2;
	s6 =	simm.s32 $0x108;
	_ =	swait.ge @!p0 [sflag:s8], $0x0  }
0x24: {  	s3 =	sadd.s32 $0x88, s3;
	s6 =	simm.s32 @!p1 $0x1082;
	[sflag:s4] =	ssyncset.s32 $0xFFFFF086  }
0x25: {  	[simem:s6], [sflag:s4] =	dma.local [hbm:s3], $0xF7A  }
0x26: {  	[smem:$0x3F9A] =	sst s1;
	(tag) =	ssettag s2;
	_ =	strace s9  }
0x27: {  	s1 =	sld [smem:$0x3FAA]  }
0x28: {  	s2 =	sld [smem:$0x3FAB]  }
0x29: {  	s4 =	sld [smem:$0x3FAD]  }
0x2a: {  	p0 =	seq.s32 s5, $0x0;
	s5 =	sld [smem:$0x3FAE]  }
0x2b: {  	s6 =	sld [smem:$0x3FAF]  }
0x2c: {  	s7 =	sld [smem:$0x3FB0]  }
0x2d: {  	s3 =	simm.s32 $0x108;
	s8 =	sld [smem:$0x3FB1]  }
0x2e: {  	s3 =	simm.s32 @!p0 $0x1082;
	s9 =	sld [smem:$0x3FB2]  }
0x2f: {  	lr =	sadd.s32 s0, s3;
	s0 =	sld [smem:$0x3FA9]  }
0x30: {  	s3 =	sld [smem:$0x3FAC]  }
0x31: {  	[smem:$0x3FB5] =	sst s10  }
0x32: {  	s10 =	sld [smem:$0x3FB3];
	_ =	sdelay $0x3  }
0x33: {  	p0 =	seq.s32 s10, $0x1;
	s10 =	sld [smem:$0x3FB5];
	_ =	sdelay $0x3  }
0x34: {  	[smem:$0x3FB5] =	sst s10  }
0x35: {  	s10 =	sld [smem:$0x3FB4];
	_ =	sdelay $0x3  }
0x36: {  	p1 =	seq.s32 s10, $0x1;
	s10 =	sld [smem:$0x3FB5];
	_ =	sdelay $0x3  }
0x37: {  	[smem:$0x3FB5] =	sst s10  }
0x38: {  	s10 =	sld [smem:$0x3FB6]  }
0x39: {  	_ = 	snop;
	(pc) =	sbr.ind lr, $3  }
0x3a: {  	_ = 	snop  }
0x3b: {  	_ = 	snop  }
0x3c: {  	p2 =	seq.s32 s10, $0x1;
	s10 =	sld [smem:$0x3FB5]  }
0x3d: {  	_ =	shalt  }
0x3e: {  	_ =	shalt  }
0x3f: {  	_ =	shalt  }
0x40: {  	_ =	shalt  }
0x41: {  	_ =	shalt  }
0x42: {  	_ =	shalt  }
0x43: {  	_ =	shalt  }
0x44: {  	_ =	shalt  }
0x45: {  	_ =	shalt  }
0x46: {  	_ =	shalt  }
0x47: {  	_ =	shalt  }
0x48: {  	_ =	shalt  }
0x49: {  	_ =	shalt  }
0x4a: {  	_ =	shalt  }
0x4b: {  	_ =	shalt  }
0x4c: {  	_ =	shalt  }
0x4d: {  	_ =	shalt  }
0x4e: {  	_ =	shalt  }
0x4f: {  	_ =	shalt  }
0x50: {  	_ =	shalt  }
0x51: {  	_ =	shalt  }
0x52: {  	_ =	shalt  }
0x53: {  	_ =	shalt  }
0x54: {  	_ =	shalt  }
0x55: {  	_ =	shalt  }
0x56: {  	_ =	shalt  }
0x57: {  	_ =	shalt  }
0x58: {  	_ =	shalt  }
0x59: {  	_ =	shalt  }
0x5a: {  	_ =	shalt  }
0x5b: {  	_ =	shalt  }
0x5c: {  	_ =	shalt  }
0x5d: {  	_ =	shalt  }
0x5e: {  	_ =	shalt  }
0x5f: {  	_ =	shalt  }
0x60: {  	_ =	shalt  }
0x61: {  	_ =	shalt  }
0x62: {  	_ =	shalt  }
0x63: {  	_ =	shalt  }
0x64: {  	_ =	shalt  }
0x65: {  	_ =	shalt  }
0x66: {  	_ =	shalt  }
0x67: {  	_ =	shalt  }
0x68: {  	_ =	shalt  }
0x69: {  	_ =	shalt  }
0x6a: {  	_ =	shalt  }
0x6b: {  	_ =	shalt  }
0x6c: {  	_ =	shalt  }
0x6d: {  	_ =	shalt  }
0x6e: {  	_ =	shalt  }
0x6f: {  	_ =	shalt  }
0x70: {  	_ =	shalt  }
0x71: {  	_ =	shalt  }
0x72: {  	_ =	shalt  }
0x73: {  	_ =	shalt  }
0x74: {  	_ =	shalt  }
0x75: {  	_ =	shalt  }
0x76: {  	_ =	shalt  }
0x77: {  	_ =	shalt  }
0x78: {  	_ =	shalt  }
0x79: {  	_ =	shalt  }
0x7a: {  	_ =	shalt  }
0x7b: {  	_ =	shalt  }
0x7c: {  	_ =	shalt  }
0x7d: {  	_ =	shalt  }
0x7e: {  	_ =	shalt  }
0x7f: {  	_ =	shalt  }
0x80: {  	_ =	shalt  }
0x81: {  	_ =	shalt  }
0x82: {  	_ =	shalt  }
0x83: {  	_ =	shalt  }
0x84: {  	_ =	shalt  }
0x85: {  	_ =	shalt  }
0x86: {  	_ =	shalt  }
0x87: {  	_ =	shalt  }
.Lfunc_end0:
.L_simem_size_0:
called_computation_lowered:
.L_overlay_start_0:
0x88: {  	s0 =	sld [smem:$0x3FD9]  }
0x89: {  	s1 =	sld [smem:$0x3FFE];
	_ =	sdelay $0x3  }
0x8a: {  	s0 =	sadd.s32 s1, s0  }
0x8b: {  	[smem:$0x3FC1] =	sst s0  }
0x8c: {  	_ = 	snop  }
0x8d: {  	s0 =	sld [smem:$0x3FC8]  }
0x8e: {  	s13 =	sld [smem:$0x3FC7]  }
0x8f: {  	s2 =	sld [smem:$0x3FC6]  }
0x90: {  	s3 =	sld [smem:$0x3FD0]  }
0x91: {  	s4 =	sld [smem:$0x3FC5]  }
0x92: {  	s5 =	sld [smem:$0x3FC4]  }
0x93: {  	s7 =	simm.s32 $0xA;
	s8 =	simm.s32 $0x10;
	s6 =	sld [smem:$0x3FC3]  }
0x94: {  	[smem:s8], [sflag:s7] =	dma.local [hbm:s3], $0x1  }
0x95: {  	_ =	swait.eq [sflag:s7], $0x1  }
0x96: {  	[sflag:s7] =	ssyncset.done $0x0  }
0x97: {  	s14 =	sld [smem:$0x10];
	[sflag:s7] =	ssyncadd.s32 $0xFFFFFFFF  }
0x98: {  	s15 =	sld [smem:$0x11];
	(tm) =	ssettm $0x1  }
0x99: {  	s16 =	sld [smem:$0x3FFB];
	_ =	sdelay $0x3  }
0x9a: {  	_ =	strace s16  }
0x9b: {  	s8 =	sld [smem:$0x3FFC];
	_ =	sdelay $0x3  }
0x9c: {  	_ =	strace s8  }
0x9d: {  	s8 =	sld [smem:$0x3FFD];
	_ =	sdelay $0x3  }
0x9e: {  	_ =	strace s8  }
0x9f: {  	_ =	strace $0x8FFFFFFF  }
0xa0: {  	s17 =	sld [smem:$0x3FDB];
	_ =	sdelay $0x1  }
0xa1: {  	s9 =	simm.s32 $_scs_section_size  }
0xa2: {  	s10 =	simm.s32 $_size__tile_overlayer_lowered;
	s11 =	simm.s32 $_tile_overlayer_lowered  }
0xa3: {  	s20 =	simm.s32 $0x1BFF;
	s19 =	sshll.u32 s11, $0x1;
	s8 =	sadd.s32 s9, s17  }
0xa4: {  	s12 =	simm.s32 $0x0;
	s18 =	sshll.u32 s10, $0x1;
	s10 =	sadd.s32 s19, s8  }
0xa5: {  	[timem:s12], [sflag:s20] =	dma.local [hbm:s10], s18  }
0xa6: {  	_ =	swait.ge [sflag:s20], s18  }
0xa7: {  	s9 =	ssub.s32 $0x0, s18;
	[sflag:s20] =	ssyncset.done $0x0  }
0xa8: {  	[sflag:s20] =	ssyncadd.s32 s9;
	_ =	sdelay $0x1  }
0xa9: {  	s21 =	simm.s32 $0x1B8B  }
0xaa: {  	_ =	swait.ge [sflag:s21], $0x1  }
0xab: {  	[sflag:s21] =	ssyncset.done $0x0  }
0xac: {  	s23 =	simm.s32 $0x1B8E;
	s22 =	sld [smem:$0x3FFE];
	[sflag:s21] =	ssyncadd.s32 $0xFFFFFFFF  }
0xad: {  	s24 =	simm.s32 $execute0_lowered;
	[smem:$0x3FD2] =	sst s23  }
0xae: {  	s10 =	sshll.u32 s24, $0x1;
	_ =	strace $0x80000046;
	[dreg:$0x1] =	wrdreg $0xFFFFFFFF  }
0xaf: {  	s25 =	simm.s32 $_size_execute0_lowered;
	s8 =	sadd.s32 s8, s10;
	[dreg:$0x0] =	wrdreg $0x0  }
0xb0: {  	s10 =	sshll.u32 s25, $0x1;
	[dreg:$0x2] =	wrdreg s8  }
0xb1: {  	[dreg:$0x3] =	wrdreg s10  }
0xb2: {  	[dreg:$0x4] =	wrdreg $0xC0  }
0xb3: {  	_ =	task [dreg:s12], $0x5FFFF  }
0xb4: {  	[dreg:$0x1] =	wrdreg $0xFFFFFFFF  }
0xb5: {  	[dreg:$0x0] =	wrdreg $0x60  }
0xb6: {  	[dreg:$0x2] =	wrdreg s14  }
0xb7: {  	[dreg:$0x3] =	wrdreg s0  }
0xb8: {  	[dreg:$0x4] =	wrdreg s13  }
0xb9: {  	[dreg:$0x5] =	wrdreg s2  }
0xba: {  	[dreg:$0x6] =	wrdreg s4  }
0xbb: {  	[dreg:$0x7] =	wrdreg s5  }
0xbc: {  	[dreg:$0x8] =	wrdreg s6  }
0xbd: {  	[dreg:$0x9] =	wrdreg s22  }
0xbe: {  	[dreg:$0xa] =	wrdreg s15  }
0xbf: {  	[dreg:$0xb] =	wrdreg $0x13000  }
0xc0: {  	[dreg:$0xc] =	wrdreg $0x9  }
0xc1: {  	_ =	task.clear_ibuf [dreg:s12], $0xDFFFF;
	_ =	strace $0x90000046  }
0xc2: {  	s26 =	simm.s32 $0x9;
	_ =	strace $0x80000048  }
0xc3: {  	_ =	swait.ge [sflag:s26], $0x1  }
0xc4: {  	[sflag:s26] =	ssyncadd.s32 $0xFFFFFFFF  }
0xc5: {  	_ =	strace $0x90000048  }
0xc6: {  	_ =	sfence  }
0xc7: {  	s28 =	sld [smem:$0x0];
	_ =	sdelay $0x1  }
0xc8: {  	s29 =	srdreg.scid  }
0xc9: {  	s30 =	sshll.u32 s29, $0xD;
	s31 =	sshrl.u32 s29, $0x2  }
0xca: {  	s1 =	sand.u32 $0x1, s29;
	s2 =	sand.u32 $0x4000, s30;
	s0 =	sadd.s32 s31, s28  }
0xcb: {  	s1 =	sor.u32 s2, s1;
	s0 =	sshll.u32 s0, $0x11  }
0xcc: {  	s0 =	sor.u32 s0, s1  }
0xcd: {  	s0 =	sadd.s32 $0x8F2B, s0  }
0xce: {  	[sflag:s0] =	ssyncadd.remote.s32 $0x1  }
0xcf: {  	_ =	sfence.sel $0xFFFF  }
0xd0: {  	[dreg:$0x0] =	wrdreg $0xFFFFFFFF;
	(pc) =	sbr.abs _section_cstart, $3  }
0xd1: {  	[dreg:$0x1] =	wrdreg $0xFFFFFFFF  }
0xd2: {  	_ =	task.clear_ibuf [dreg:s12], $0x2FFFF;
	_ =	strace $0x9FFFFFFF  }
0xd3: {  	(tm) =	ssettm $0x7FFFFFFF  }
tec
execute0_lowered:
.L_overlay_start_1:
0x0: {  	(tag) =	ssettag $0x1  }
0x1: {  	s2 =	rddreg [dreg:$0x0]  }
0x2: {  	s4 =	rddreg [dreg:$0x1]  }
0x3: {  	s5 =	rddreg [dreg:$0x2]  }
0x4: {  	s6 =	rddreg [dreg:$0x3]  }
0x5: {  	s7 =	rddreg [dreg:$0x4]  }
0x6: {  	s8 =	rddreg [dreg:$0x5]  }
0x7: {  	s9 =	rddreg [dreg:$0x6]  }
0x8: {  	s10 =	rddreg [dreg:$0x7]  }
0x9: {  	s1 =	rddreg [dreg:$0x8]  }
0xa: {  	s3 =	rddreg [dreg:$0x9]  }
0xb: {  	s0 =	rddreg [dreg:$0xa];
	s11 =	simm.s32 $0x0;
	s12 =	stileid.u32  }
0xc: {  	[smem:$0x7FF] =	sst s11;
	p0 =	sne.s32 s12, $0x0  }
0xd: {  	_ =	strace $0x80000047;
	s13 =	simm.s32 @!p0 $0x0;
	s14 =	simm.s32 @!p0 $0x80  }
0xe: {  	[tilespmem:s14], [sflag:$0x3] =	stream.linear.gather @!p0 [hbm4b:s2+s13], $0x180, $0x38;
	[tilespmem:$0x1B30] =	vst v63  }
0xf: {  	_ = 	snop  }
0x10: {  	[tilespmem:s13], [sflag:$0x3] =	stream.linear.gather @!p0 [hbm4b:s4+s13], $0x18, $0x38;
	[tilespmem:$0x1B30] =	vst v63  }
0x11: {  	s2 =	simm.s32 @!p0 $0x600;
	s4 =	sshll.u32 s12, $0x7  }
0x12: {  	[tilespmem:s2], [sflag:$0x3] =	stream.linear.gather @!p0 [hbm4b:s9+s13], $0x1, $0x38;
	[tilespmem:$0x1B30] =	vst v63  }
0x13: {  	s14 =	simm.s32 $0x1330;
	s13 =	sadd.s32 s5, s4  }
0x14: {  	[tilespmem:s14], [sflag:$0x1] =	stream.linear.gather [hbm4b:s13+s11], $0x200, $0x38;
	[tilespmem:$0x1B30] =	vst v63  }
0x15: {  	s16 =	simm.s32 $0x200;
	s15 =	sadd.s32 s6, s4  }
0x16: {  	[tilespmem:s16], [sflag:$0x1] =	stream.linear.gather [hbm4b:s15+s11], $0x200, $0x38;
	[tilespmem:$0x1B30] =	vst v63  }
0x17: {  	s18 =	simm.s32 $0x680;
	s17 =	sadd.s32 s7, s4  }
0x18: {  	[tilespmem:s18], [sflag:$0x1] =	stream.linear.gather [hbm4b:s17+s11], $0x200, $0x38;
	[tilespmem:$0x1B30] =	vst v63  }
0x19: {  	s21 =	simm.s32 $0x1730;
	s19 =	sadd.s32 s8, s4;
	s20 =	sor.u32 $0x40, s4  }
0x1a: {  	[tilespmem:s21], [sflag:$0x1] =	stream.linear.gather [hbm4b:s19+s11], $0x200, $0x38;
	[tilespmem:$0x1B30] =	vst v63  }
0x1b: {  	s23 =	simm.s32 $0x1530;
	s22 =	sadd.s32 s5, s20  }
0x1c: {  	[tilespmem:s23], [sflag:$0x2] =	stream.linear.gather [hbm4b:s22+s11], $0x200, $0x38;
	[tilespmem:$0x1B30] =	vst v63  }
0x1d: {  	s25 =	simm.s32 $0x400;
	s24 =	sadd.s32 s6, s20  }
0x1e: {  	[tilespmem:s25], [sflag:$0x2] =	stream.linear.gather [hbm4b:s24+s11], $0x200, $0x38;
	[tilespmem:$0x1B30] =	vst v63  }
0x1f: {  	s28 =	simm.s32 $0x880;
	s26 =	sadd.s32 s7, s20  }
0x20: {  	[tilespmem:s28], [sflag:$0x2] =	stream.linear.gather [hbm4b:s26+s11], $0x200, $0x38;
	[tilespmem:$0x1B30] =	vst v63  }
0x21: {  	s30 =	simm.s32 $0x1930;
	s29 =	sadd.s32 s8, s20  }
0x22: {  	v0 =	vimm.f32 $0.0e+00;
	[tilespmem:s30], [sflag:$0x2] =	stream.linear.gather [hbm4b:s29+s11], $0x200, $0x38;
	[tilespmem:$0x1B30] =	vst v63  }
0x23: {  	[tilespmem:$0xA80] =	vst v0  }
0x24: {  	[tilespmem:$0xA90] =	vst v0  }
0x25: {  	s31 =	simm.s32 $0x1;
	[tilespmem:$0xAA0] =	vst v0  }
0x26: {  	_ =	swait.ge [sflag:s31], $0x200  }
0x27: {  	[sflag:s31] =	ssyncset.done $0x0  }
0x28: {  	[sflag:s31] =	ssyncadd.s32 $0xFFFFFE00  }
0x29: {  	_ =	swait.ge [sflag:s31], $0x200  }
0x2a: {  	[sflag:s31] =	ssyncset.done $0x0  }
0x2b: {  	[sflag:s31] =	ssyncadd.s32 $0xFFFFFE00  }
0x2c: {  	_ =	swait.ge [sflag:s31], $0x200  }
0x2d: {  	[sflag:s31] =	ssyncset.done $0x0  }
0x2e: {  	[sflag:s31] =	ssyncadd.s32 $0xFFFFFE00  }
0x2f: {  	s2 =	sadd.s32 $0x800, s10;
	_ =	swait.ge [sflag:s31], $0x200  }
0x30: {  	s4 =	sadd.s32 s4, s3;
	s5 =	simm.s32 $0xA80;
	[sflag:s31] =	ssyncset.done $0x0  }
0x31: {  	s7 =	simm.s32 $0x0;
	s6 =	simm.s32 $0x40;
	[sflag:s31] =	ssyncadd.s32 $0xFFFFFE00  }
.LBB2_1:
0x32: {  	p1 =	sne.s32 s6, $0x7C0;
	v1 =	vld [tilespmem:s7+$0x680]  }
0x33: {  	v2 =	vld [tilespmem:s7+$0x1730]  }
0x34: {  	v3 =	vld [tilespmem:s7+$0x1330];
	_ =	sdelay $0x1  }
0x35: {  	v4 =	vld [tilespmem:s7+$0x200]  }
0x36: {  	v1 =	vadd.f32 $1.000000000e+00, v1  }
0x37: {  	v5 =	vadd.s32 $0x10, v2  }
.Ltmp0:
0x38: {  	v6 =	vmul.f32 v1, v3;
	v0 =	vadd.f32 v3, v0;
	(pc) =	sbr.rel @p1 .LBB2_1-.Ltmp0, $4  }
0x39: {  	_ = 	snop  }
0x3a: {  	v3 =	vadd.f32 v6, v4  }
0x3b: {  	[tilespmem:v2+s5+$0x0] =	vst.idx.add.f32.msk $0xffff, v1  }
0x3c: {  	s7 =	sshra.s32 s6, $0x2;
	s6 =	sadd.s32 $0x40, s6;
	[tilespmem:v5+s5+$0x0] =	vst.idx.add.f32.msk $0xffff, v3  }
0x3d: {  	v1 =	vld [tilespmem:s7+$0x680]  }
0x3e: {  	v2 =	vld [tilespmem:s7+$0x1730]  }
0x3f: {  	v3 =	vld [tilespmem:s7+$0x1330];
	_ =	sdelay $0x1  }
0x40: {  	v4 =	vld [tilespmem:s7+$0x200]  }
0x41: {  	v1 =	vadd.f32 $1.000000000e+00, v1  }
0x42: {  	v5 =	vadd.s32 $0x10, v2  }
0x43: {  	v6 =	vmul.f32 v1, v3;
	_ =	sdelay $0x1  }
0x44: {  	v4 =	vadd.f32 v6, v4  }
0x45: {  	[tilespmem:v2+s5+$0x0] =	vst.idx.add.f32.msk $0xffff, v1  }
0x46: {  	s31 =	simm.s32 $0x2;
	[tilespmem:v5+s5+$0x0] =	vst.idx.add.f32.msk $0xffff, v4  }
0x47: {  	_ =	swait.ge [sflag:s31], $0x200  }
0x48: {  	[sflag:s31] =	ssyncset.done $0x0  }
0x49: {  	[sflag:s31] =	ssyncadd.s32 $0xFFFFFE00  }
0x4a: {  	_ =	swait.ge [sflag:s31], $0x200  }
0x4b: {  	[sflag:s31] =	ssyncset.done $0x0  }
0x4c: {  	[sflag:s31] =	ssyncadd.s32 $0xFFFFFE00  }
0x4d: {  	_ =	swait.ge [sflag:s31], $0x200  }
0x4e: {  	[sflag:s31] =	ssyncset.done $0x0  }
0x4f: {  	[sflag:s31] =	ssyncadd.s32 $0xFFFFFE00  }
0x50: {  	_ =	swait.ge [sflag:s31], $0x200  }
0x51: {  	s7 =	simm.s32 $0x0;
	[sflag:s31] =	ssyncset.done $0x0  }
0x52: {  	s6 =	simm.s32 $0x40;
	v0 =	vadd.f32 v3, v0;
	s5 =	simm.s32 $0xA80;
	[sflag:s31] =	ssyncadd.s32 $0xFFFFFE00  }
.LBB2_3:
0x53: {  	p1 =	sne.s32 s6, $0x7C0;
	v1 =	vld [tilespmem:s7+$0x880]  }
0x54: {  	v2 =	vld [tilespmem:s7+$0x1930]  }
0x55: {  	v3 =	vld [tilespmem:s7+$0x1530];
	_ =	sdelay $0x1  }
0x56: {  	v4 =	vld [tilespmem:s7+$0x400]  }
0x57: {  	v1 =	vadd.f32 $1.000000000e+00, v1  }
0x58: {  	v5 =	vadd.s32 $0x10, v2  }
.Ltmp1:
0x59: {  	v6 =	vmul.f32 v1, v3;
	v0 =	vadd.f32 v3, v0;
	(pc) =	sbr.rel @p1 .LBB2_3-.Ltmp1, $4  }
0x5a: {  	_ = 	snop  }
0x5b: {  	v3 =	vadd.f32 v6, v4  }
0x5c: {  	[tilespmem:v2+s5+$0x0] =	vst.idx.add.f32.msk $0xffff, v1  }
0x5d: {  	s7 =	sshra.s32 s6, $0x2;
	s6 =	sadd.s32 $0x40, s6;
	[tilespmem:v5+s5+$0x0] =	vst.idx.add.f32.msk $0xffff, v3  }
0x5e: {  	v1 =	vld [tilespmem:s7+$0x880]  }
0x5f: {  	v2 =	vld [tilespmem:s7+$0x1930]  }
0x60: {  	v3 =	vld [tilespmem:s7+$0x1530];
	_ =	sdelay $0x1  }
0x61: {  	v4 =	vld [tilespmem:s7+$0x400]  }
0x62: {  	v1 =	vadd.f32 $1.000000000e+00, v1  }
0x63: {  	v5 =	vadd.s32 $0x10, v2  }
0x64: {  	v6 =	vmul.f32 v1, v3;
	_ =	sdelay $0x1  }
0x65: {  	v4 =	vadd.f32 v6, v4  }
0x66: {  	v0 =	vadd.f32 v3, v0;
	[tilespmem:v2+s5+$0x0] =	vst.idx.add.f32.msk $0xffff, v1  }
0x67: {  	[tilespmem:v5+s5+$0x0] =	vst.idx.add.f32.msk $0xffff, v4  }
0x68: {  	s31 =	simm.s32 $0xA80;
	[tilespmem:$0xAA0] =	vst v0  }
0x69: {  	[spmem:s4] =	stream.linear.scatter [tilespmem:s31], [sflag:$0x4], $0x80, $0x38;
	[tilespmem:$0x1B30] =	vst v63  }
0x6a: {  	s4 =	simm.s32 $0x4  }
0x6b: {  	_ =	swait.ge [sflag:s4], $0x80  }
0x6c: {  	[sflag:s4] =	ssyncset.done $0x0  }
0x6d: {  	[sflag:s4] =	ssyncadd.s32 $0xFFFFFF80  }
0x6e: {  	[bflag:$0x0] =	sbarrier.arrive $0xFFFF  }
0x6f: {  	_ =	sfence.sel @p0 $0x180000  }
0x70: {  	[bflag:$0x0] =	sbarrier.arrive @p0 $0xFFFF  }
0x71: {  	_ =	strace @p0 $0x90000047  }
0x72: {  	[bflag:$0x2] =	sbarrier.arrive @p0 $0xFFFF  }
0x73: {  	_ =	shalt @p0  }
.LBB2_5:
0x74: {  	s5 =	simm.s32 $0x3  }
0x75: {  	_ =	swait.ge [sflag:s5], $0x180  }
0x76: {  	[sflag:s5] =	ssyncset.done $0x0  }
0x77: {  	[sflag:s5] =	ssyncadd.s32 $0xFFFFFE80  }
0x78: {  	_ =	swait.ge [sflag:s5], $0x18  }
0x79: {  	[sflag:s5] =	ssyncset.done $0x0  }
0x7a: {  	[sflag:s5] =	ssyncadd.s32 $0xFFFFFFE8  }
0x7b: {  	_ =	swait.ge [sflag:s5], $0x1  }
0x7c: {  	[sflag:s5] =	ssyncset.done $0x0  }
0x7d: {  	s23 =	simm.s32 $0xB00;
	[sflag:s5] =	ssyncadd.s32 $0xFFFFFFFF  }
0x7e: {  	[tilespmem:s23], [sflag:$0x4] =	stream.linear.gather [spmem:s3], $0x800, $0x38;
	[tilespmem:$0x1B30] =	vst v63  }
0x7f: {  	_ =	swait.ge [sflag:s4], $0x800  }
0x80: {  	[sflag:s4] =	ssyncset.done $0x0  }
0x81: {  	[sflag:s4] =	ssyncadd.s32 $0xFFFFF800  }
0x82: {  	v0 =	vld [tilespmem:$0xB20];
	_ =	sdelay $0x1  }
0x83: {  	v1 =	vld [tilespmem:$0xBA0];
	_ =	sdelay $0x1  }
0x84: {  	v2 =	vld [tilespmem:$0xC20]  }
0x85: {  	v0 =	vadd.f32 $0.0e+00, v0  }
0x86: {  	v3 =	vld [tilespmem:$0xCA0]  }
0x87: {  	v0 =	vadd.f32 v1, v0  }
0x88: {  	v13 =	vld [tilespmem:$0xD20]  }
0x89: {  	v0 =	vadd.f32 v2, v0  }
0x8a: {  	v14 =	vld [tilespmem:$0xDA0]  }
0x8b: {  	v0 =	vadd.f32 v3, v0  }
0x8c: {  	v15 =	vld [tilespmem:$0xE20]  }
0x8d: {  	v0 =	vadd.f32 v13, v0  }
0x8e: {  	v16 =	vld [tilespmem:$0xEA0]  }
0x8f: {  	v0 =	vadd.f32 v14, v0  }
0x90: {  	v17 =	vld [tilespmem:$0xF20]  }
0x91: {  	v18 =	vld [tilespmem:$0xFA0];
	v0 =	vadd.f32 v15, v0  }
0x92: {  	v4 =	vld [tilespmem:$0x600]  }
0x93: {  	v0 =	vadd.f32 v16, v0  }
0x94: {  	v19 =	vld [tilespmem:$0x1020]  }
0x95: {  	v0 =	vadd.f32 v17, v0  }
0x96: {  	v20 =	vld [tilespmem:$0x10A0]  }
0x97: {  	(v2sf) =	vpush v4, $0x0;
	v0 =	vadd.f32 v18, v0  }
0x98: {  	v21 =	vld [tilespmem:$0x1120]  }
0x99: {  	v0 =	vadd.f32 v19, v0  }
0x9a: {  	v22 =	vld [tilespmem:$0x11A0]  }
0x9b: {  	v0 =	vadd.f32 v20, v0  }
0x9c: {  	v23 =	vld [tilespmem:$0x1220]  }
0x9d: {  	v0 =	vadd.f32 v21, v0  }
0x9e: {  	v24 =	vld [tilespmem:$0x12A0]  }
0x9f: {  	v0 =	vadd.f32 v22, v0;
	_ =	sdelay $0x1  }
0xa0: {  	v25 =	vld [tilespmem:$0xB00];
	v0 =	vadd.f32 v23, v0  }
0xa1: {  	v26 =	vld [tilespmem:$0xB10]  }
0xa2: {  	v27 =	vld [tilespmem:$0xB80];
	v0 =	vadd.f32 v24, v0  }
0xa3: {  	v28 =	vld [tilespmem:$0xB90]  }
0xa4: {  	v5 =	vld [tilespmem:$0xC00];
	(xrf2) =	vadd.scan.msk.f32 $0xffff, v0  }
0xa5: {  	v30 =	vld [tilespmem:$0xC10];
	v29 =	vadd.f32 $0.0e+00, v25;
	s3 =	spop (v2sf)  }
0xa6: {  	v6 =	vld [tilespmem:$0xC80];
	p0 =	sgt.s32 s3, $0x0  }
0xa7: {  	v31 =	vld [tilespmem:$0xC90];
	s3 =	simm.s32 @!p0 $0x0;
	v0 =	vadd.f32 v27, v29  }
0xa8: {  	v7 =	vld [tilespmem:$0xD00];
	v2 =	vadd.f32 $0.0e+00, v26;
	s3 =	smin.u32 s3, $0x17  }
0xa9: {  	v32 =	vld [tilespmem:s3+$0x0];
	v0 =	vadd.f32 v5, v0  }
0xaa: {  	v33 =	vld [tilespmem:$0xD80];
	v2 =	vadd.f32 v28, v2  }
0xab: {  	v34 =	vld [tilespmem:$0xD10];
	v0 =	vadd.f32 v6, v0  }
0xac: {  	v35 =	vld [tilespmem:$0xE00];
	v1 =	vadd.f32 v30, v2  }
0xad: {  	v36 =	vld [tilespmem:$0xD90];
	v0 =	vadd.f32 v7, v0  }
0xae: {  	v37 =	vld [tilespmem:$0xE80];
	v1 =	vadd.f32 v31, v1;
	(v2sf) =	vpush v32, $0x0;
	v8, _, _ =	vpop (xrf2)  }
0xaf: {  	v38 =	vld [tilespmem:$0xE10];
	v0 =	vadd.f32 v33, v0;
	(v2sf) =	vpush v8, $0xF  }
0xb0: {  	v39 =	vld [tilespmem:$0xF00]  }
0xb1: {  	v40 =	vld [tilespmem:$0xE90];
	v1 =	vadd.f32 v34, v1;
	v0 =	vadd.f32 v35, v0  }
0xb2: {  	v41 =	vld [tilespmem:$0xF80]  }
0xb3: {  	v42 =	vld [tilespmem:$0xF10];
	v1 =	vadd.f32 v36, v1;
	v0 =	vadd.f32 v37, v0  }
0xb4: {  	v43 =	vld [tilespmem:$0x1000]  }
0xb5: {  	v44 =	vld [tilespmem:$0xF90];
	v1 =	vadd.f32 v38, v1;
	v0 =	vadd.f32 v39, v0  }
0xb6: {  	v45 =	vld [tilespmem:$0x1080]  }
0xb7: {  	v46 =	vld [tilespmem:$0x1010];
	v1 =	vadd.f32 v40, v1;
	v0 =	vadd.f32 v41, v0  }
0xb8: {  	v47 =	vld [tilespmem:$0x1100]  }
0xb9: {  	v48 =	vld [tilespmem:$0x1090];
	v1 =	vadd.f32 v42, v1;
	v0 =	vadd.f32 v43, v0  }
0xba: {  	v49 =	vld [tilespmem:$0x1180]  }
0xbb: {  	v50 =	vld [tilespmem:$0x1110];
	v1 =	vadd.f32 v44, v1;
	v0 =	vadd.f32 v45, v0  }
0xbc: {  	v51 =	vld [tilespmem:$0x1200]  }
0xbd: {  	v52 =	vld [tilespmem:$0x1190];
	v1 =	vadd.f32 v46, v1;
	s24 =	spop (v2sf);
	v0 =	vadd.f32 v47, v0  }
0xbe: {  	v53 =	vld [tilespmem:$0x1280];
	s25 =	spop (v2sf)  }
0xbf: {  	v1 =	vadd.f32 v48, v1;
	v0 =	vadd.f32 v49, v0;
	s5 =	smul.f32 $6.103515630e-05, s25  }
0xc0: {  	v54 =	vld [tilespmem:$0x1210];
	s4 =	smul.f32 $9.900000090e-01, s24  }
0xc1: {  	v55 =	vld [tilespmem:$0x1290];
	s6 =	sshll.u32 s3, $0x4;
	v1 =	vadd.f32 v50, v1;
	v0 =	vadd.f32 v51, v0;
	s5 =	smul.f32 $9.999999770e-03, s5  }
0xc2: {  	v56 =	vld [tilespmem:s6+$0x80]  }
0xc3: {  	v1 =	vadd.f32 v52, v1;
	v0 =	vadd.f32 v53, v0;
	s4 =	sadd.f32 s5, s4;
	_ =	sdelay $0x1  }
0xc4: {  	v1 =	vadd.f32 v54, v1;
	v0 =	vmul.f32 s4, v0;
	_ =	sdelay $0x1  }
0xc5: {  	v1 =	vadd.f32 v55, v1;
	v0 =	vadd.f32 v0, v56;
	_ =	sdelay $0x1  }
0xc6: {  	v0 =	vsub.f32 v0, v1;
	_ =	sdelay $0x1  }
0xc7: {  	(xrf2) =	vadd.scan.msk.f32 $0xffff, v0;
	_ =	sdelay $0x9  }
0xc8: {  	v57, _, _ =	vpop (xrf2)  }
0xc9: {  	(v2sf) =	vpush v57, $0xF;
	_ =	sdelay $0xe  }
0xca: {  	s26 =	spop (v2sf)  }
0xcb: {  	s5 =	smul.f32 $6.250000000e-02, s26;
	_ =	sdelay $0x1  }
0xcc: {  	s5 =	smul.f32 $1.500000000e+00, s5;
	_ =	sdelay $0x1  }
0xcd: {  	v58 =	vmov s5  }
0xce: {  	v1 =	vsub.f32 v0, v58;
	_ =	sdelay $0x1  }
0xcf: {  	v1 =	vmul.f32 $-1.500000060e-01, v1;
	_ =	sdelay $0x1  }
0xd0: {  	v1 =	vadd.f32 v1, v0  }
0xd1: {  	vm0 =	vgt.f32 v0, s5  }
0xd2: {  	v0 =	vsel vm0, v1, v0  }
0xd3: {  	v0 =	vmax.f32 v0, $3.125000000e+01  }
0xd4: {  	(xrf2) =	vadd.scan.msk.f32 $0xffff, v0;
	_ =	sdelay $0x9  }
0xd5: {  	v59, _, _ =	vpop (xrf2)  }
0xd6: {  	(v2sf) =	vpush v59, $0xF;
	_ =	sdelay $0xe  }
0xd7: {  	s28 =	spop (v2sf)  }
0xd8: {  	v60 =	vadd.f32 $1.000000000e+02, v0;
	p6 =	slt.f32 s28, $5.000000000e+03  }
0xd9: {  	v61 =	vmul.f32 $9.499999880e-01, v0;
	p1 =	sgt.f32 s28, $1.500000000e+04  }
0xda: {  	v62 =	vlaneseq.u32;
	v0 =	vpsel p6, v60, v0  }
0xdb: {  	vm15 =	veq.s32 v62, $0x0;
	v0 =	vpsel p1, v61, v0  }
0xdc: {  	v63 =	vsel vm15, s4, v32;
	[tilespmem:s6+$0x80] =	vst v0  }
0xdd: {  	s29 =	simm.s32 $0x0;
	s30 =	simm.s32 $0x80;
	[tilespmem:s3+$0x0] =	vst v63  }
0xde: {  	[hbm4b:s2+s29] =	stream.linear.scatter [tilespmem:s30], [sflag:$0x1], $0x180, $0x38;
	[tilespmem:$0x1B30] =	vst v63  }
0xdf: {  	s31 =	simm.s32 $0x1  }
0xe0: {  	[hbm4b:s1+s29] =	stream.linear.scatter [tilespmem:s29], [sflag:$0x1], $0x18, $0x38;
	[tilespmem:$0x1B30] =	vst v63  }
0xe1: {  	_ =	swait.ge [sflag:s31], $0x180  }
0xe2: {  	[sflag:s31] =	ssyncset.done $0x0  }
0xe3: {  	[sflag:s31] =	ssyncadd.s32 $0xFFFFFE80  }
0xe4: {  	_ =	swait.ge [sflag:s31], $0x18  }
0xe5: {  	[sflag:s31] =	ssyncset.done $0x0  }
0xe6: {  	[sflag:s31] =	ssyncadd.s32 $0xFFFFFFE8  }
0xe7: {  	_ =	sfence.sel $0x180000  }
0xe8: {  	[bflag:$0x0] =	sbarrier.arrive $0xFFFF  }
0xe9: {  	_ =	strace $0x90000047  }
0xea: {  	s0 =	sadd.s32 $0x100000, s0;
	[bflag:$0x2] =	sbarrier.arrive $0xFFFF  }
0xeb: {  	[sflag:s0] =	ssyncadd.tile.s32 $0x1;
	_ =	shalt  }
.Lfunc_end2:
_tile_overlayer_lowered:
.L_overlay_start_2:
0xec: {  	(tag) =	ssettag $0x2  }
0xed: {  	s0 =	rddreg [dreg:$0x0];
	s2 =	stileid.u32  }
0xee: {  	s1 =	rddreg [dreg:$0x1];
	p0 =	sne.s32 s2, $0x0  }
0xef: {  	s3 =	rddreg [dreg:$0x2];
	[bflag:$0x3] =	sbarrier.arrive $0xFFFF;
	s2 =	simm.s32 @!p0 $0x1C04  }
0xf0: {  	[timem:s3], [sflag:s2] =	dma.local @!p0 [hbm:s0], s1  }
0xf1: {  	s0 =	simm.s32 @!p0 $0x4  }
0xf2: {  	_ =	swait.ge @!p0 [sflag:s0], s1  }
0xf3: {  	s1 =	ssub.s32 @!p0 $0x0, s1;
	[sflag:s0] =	ssyncset.done @!p0 $0x0  }
0xf4: {  	[sflag:s0] =	ssyncadd.s32 @!p0 s1  }
0xf5: {  	[bflag:$0x3] =	sbarrier.arrive $0xFFFF  }
0xf6: {  	_ =	shalt  }

</sc_bundles>
